<compile_context>
chip_gen: v7x
topology: tpu7x:2x2x1
jax: 0.10.2.dev20260603
libtpu: 0.0.44.dev20260713+nightly
codegen_flags: <defaults>
</compile_context>

<pallas_src>
import functools

import jax
import jax.numpy as jnp
from jax import lax
from jax.experimental import pallas as pl
from jax.experimental.pallas import tpu as pltpu
from jax.experimental.pallas import tpu_sc as plsc

_NUM_STAGES = 10
_EMBED_DIM = 128
_BATCH = 16384
_NC = 2
_NS = 16
_L = 16
_NW = _NC * _NS
_BPW = _BATCH // _NW
_CHUNKS = _BPW // _L
_VPR = _EMBED_DIM // _L
_OH_WORDS = _BPW * _NUM_STAGES
_QUARTERS = 16
_CPQ = _CHUNKS // _QUARTERS
_RPQ = _BPW // _QUARTERS

_NREP = 4

_mesh = plsc.VectorSubcoreMesh(core_axis_name="c", subcore_axis_name="s")


@functools.partial(
    pl.kernel,
    mesh=_mesh,
    out_type=jax.ShapeDtypeStruct((_BATCH, _EMBED_DIM), jnp.float32),
    scratch_types=[
        pltpu.VMEM((_BPW,), jnp.int32),
        pltpu.VMEM((_NUM_STAGES * _EMBED_DIM,), jnp.float32),
        pltpu.VMEM((_BPW, _EMBED_DIM), jnp.float32),
        pltpu.SemaphoreType.DMA,
    ],
    compiler_params=pltpu.CompilerParams(
        needs_layout_passes=False, skip_device_barrier=True
    ),
)
def _stage_embed_kernel(stages_hbm, table_hbm, out_emb_hbm,
                        idx_v, table_v, rows_v, sem):
    wid = lax.axis_index("s") * _NC + lax.axis_index("c")
    base = wid * _BPW

    idx_cp = pltpu.async_copy(stages_hbm.at[pl.ds(base, _BPW)], idx_v, sem)
    tab_cp = pltpu.async_copy(
        table_hbm.at[pl.ds((wid % _NREP) * (_NUM_STAGES * _EMBED_DIM),
                           _NUM_STAGES * _EMBED_DIM)],
        table_v, sem,
    )
    idx_cp.wait()
    tab_cp.wait()

    def chunk_body(c, carry):
        s_chunk = idx_v[pl.ds(c * _L, _L)]
        srcs = [s_chunk[k] * _EMBED_DIM for k in range(_L)]
        prev = None
        for k in range(_L + 1):
            cur = []
            for v in range(_VPR):
                if k < _L:
                    cur.append(table_v[pl.ds(srcs[k] + v * _L, _L)])
                if prev is not None:
                    rows_v[c * _L + k - 1, pl.ds(v * _L, _L)] = prev[v]
            prev = cur

        @pl.when(c % _CPQ == _CPQ - 1)
        def _():
            q = c // _CPQ
            pltpu.make_async_copy(
                rows_v.at[pl.ds(q * _RPQ, _RPQ)],
                out_emb_hbm.at[pl.ds(base + q * _RPQ, _RPQ)],
                sem,
            ).start()

        return carry

    lax.fori_loop(0, _CHUNKS, chunk_body, 0)
    for q in range(_QUARTERS):
        pltpu.make_async_copy(
            rows_v.at[pl.ds(q * _RPQ, _RPQ)],
            out_emb_hbm.at[pl.ds(base + q * _RPQ, _RPQ)],
            sem,
        ).wait()


def _onehot_body(stages_ref, out_ref):
    s = stages_ref[...]
    stage_ids = lax.broadcasted_iota(jnp.int32, (_NUM_STAGES, _BATCH), 0)
    out_ref[...] = jnp.where(stage_ids == s, 1.0, 0.0).astype(jnp.float32)


_onehot_tc = pl.pallas_call(
    _onehot_body,
    out_shape=jax.ShapeDtypeStruct((_NUM_STAGES, _BATCH), jnp.float32),
)


def kernel(stages, table):
    stages_i32 = stages.reshape(-1).astype(jnp.int32)
    table_rep = jnp.tile(table.reshape(-1), _NREP)
    emb = _stage_embed_kernel(stages_i32, table_rep)
    oh_t = _onehot_tc(stages_i32.reshape(1, _BATCH))
    return emb, oh_t.T

# --- scband reference (transcript-rebuilt; emitter-appended) ---
"""Pipeline reference for scband-growth-stage-specific-module-5325759447502 (READ-ONLY COPY).

The authoritative reference and input builder live on the scoring server;
editing this copy changes nothing except your own understanding.
"""

import jax, jax.numpy as jnp
import numpy as np

NUM_STAGES = 10
EMBED_DIM = 128
BATCH = 16384

def setup_inputs(seed: int = 0) -> dict:
    key = jax.random.key(seed)
    k1, k2 = jax.random.split(key)
    stages = jax.random.randint(k1, (BATCH,), 0, NUM_STAGES, dtype=jnp.int64 if jax.config.jax_enable_x64 else jnp.int32)
    table = jax.random.normal(k2, (NUM_STAGES, EMBED_DIM), dtype=jnp.float32)
    return {"stages": stages, "table": table}

def reference(stages, table):
    batch_size = stages.shape[0]
    stages_flat = stages.reshape(-1).astype(jnp.int32)
    # embedding lookup -> gather
    stage_embedding = jnp.take(table, stages_flat, axis=0)
    # one-hot via scatter-overwrite (mirrors torch scatter_)
    one_hot_stages = jnp.zeros((batch_size, NUM_STAGES), dtype=jnp.float32)
    one_hot_stages = one_hot_stages.at[jnp.arange(batch_size), stages_flat].set(1.0)
    return (stage_embedding, one_hot_stages)

if __name__ == "__main__":
    import jax
    _d = setup_inputs()
    print(jax.jit(kernel)(*tuple(_d.values())))

</pallas_src>

<mosaic_0001>
#map = affine_map<(d0, d1) -> (0)>
#map1 = affine_map<(d0, d1) -> (0, 0)>
module attributes {stable_mosaic.version = 14 : i64} {
  func.func @_stage_embed_kernel(%arg0: i32, %arg1: i32, %arg2: memref<16384xi32, #tpu.memory_space<hbm>>, %arg3: memref<5120xf32, #tpu.memory_space<hbm>>, %arg4: memref<16384x128xf32, #tpu.memory_space<hbm>>, %arg5: memref<512xi32, #tpu.memory_space<vmem>>, %arg6: memref<1280xf32, #tpu.memory_space<vmem>>, %arg7: memref<512x128xf32, #tpu.memory_space<vmem>>, %arg8: memref<!tpu.dma_semaphore, #tpu.memory_space<semaphore_mem>>) attributes {dimension_semantics = [#tpu.dimension_semantics<core_parallel>, #tpu.dimension_semantics<subcore_parallel>], iteration_bounds = array<i64: 2, 16>, scalar_prefetch = 0 : i64, scratch_operands = 4 : i64, tpu.core_type = #tpu.core_type<sc_vector_subcore>, window_params = [{transform_indices = #map}, {transform_indices = #map}, {transform_indices = #map1}]} {
    %mul3A = arith.constant 2 : i32
    %mul3A_0 = arith.muli %arg1, %mul3A : i32
    %add3A = arith.addi %mul3A_0, %arg0 : i32
    %mul3A_1 = arith.constant 512 : i32
    %mul3A_2 = arith.muli %add3A, %mul3A_1 : i32
    %dma_start3A = tpu.memref_slice %arg2[%mul3A_2] : memref<16384xi32, #tpu.memory_space<hbm>> -> memref<512xi32, #tpu.memory_space<hbm>>
    %dma_start3A_3 = tpu.memref_slice %arg2[%mul3A_2] : memref<16384xi32, #tpu.memory_space<hbm>> -> memref<512xi32, #tpu.memory_space<hbm>>
    tpu.enqueue_dma source(%dma_start3A_3 : memref<512xi32, #tpu.memory_space<hbm>>) target(%arg5 : memref<512xi32, #tpu.memory_space<vmem>>) target_semaphore(%arg8 : memref<!tpu.dma_semaphore, #tpu.memory_space<semaphore_mem>>)
    %jit3A = arith.constant 4 : i32
    %eq3A = arith.constant 0 : i32
    %eq3A_4 = arith.cmpi eq, %jit3A, %eq3A : i32
    %jit3A_5 = arith.constant 1 : i32
    %select_n3A = arith.select %eq3A_4, %jit3A_5, %jit3A : i32
    %rem3A = arith.remsi %add3A, %select_n3A : i32
    %ne3A = arith.constant 0 : i32
    %ne3A_6 = arith.cmpi ne, %rem3A, %ne3A : i32
    %lt3A = arith.constant 0 : i32
    %lt3A_7 = arith.cmpi slt, %rem3A, %lt3A : i32
    %lt3A_8 = arith.constant 0 : i32
    %lt3A_9 = arith.cmpi slt, %select_n3A, %lt3A_8 : i32
    %ne3A_10 = arith.xori %lt3A_7, %lt3A_9 : i1
    %and3A = arith.andi %ne3A_10, %ne3A_6 : i1
    %add3A_11 = arith.addi %rem3A, %select_n3A : i32
    %select_n3A_12 = arith.select %and3A, %add3A_11, %rem3A : i32
    %mul3A_13 = arith.constant 1280 : i32
    %mul3A_14 = arith.muli %select_n3A_12, %mul3A_13 : i32
    %dma_start3A_15 = tpu.memref_slice %arg3[%mul3A_14] : memref<5120xf32, #tpu.memory_space<hbm>> -> memref<1280xf32, #tpu.memory_space<hbm>>
    %dma_start3A_16 = tpu.memref_slice %arg3[%mul3A_14] : memref<5120xf32, #tpu.memory_space<hbm>> -> memref<1280xf32, #tpu.memory_space<hbm>>
    tpu.enqueue_dma source(%dma_start3A_16 : memref<1280xf32, #tpu.memory_space<hbm>>) target(%arg6 : memref<1280xf32, #tpu.memory_space<vmem>>) target_semaphore(%arg8 : memref<!tpu.dma_semaphore, #tpu.memory_space<semaphore_mem>>)
    %dma_wait3A = tpu.memref_slice %arg2[%mul3A_2] : memref<16384xi32, #tpu.memory_space<hbm>> -> memref<512xi32, #tpu.memory_space<hbm>>
    %dma_wait3A_17 = tpu.memref_slice %arg2[%mul3A_2] : memref<16384xi32, #tpu.memory_space<hbm>> -> memref<512xi32, #tpu.memory_space<hbm>>
    tpu.wait_dma2 semaphore(%arg8 : memref<!tpu.dma_semaphore, #tpu.memory_space<semaphore_mem>>) src(%dma_wait3A_17 : memref<512xi32, #tpu.memory_space<hbm>>) dst(%arg5 : memref<512xi32, #tpu.memory_space<vmem>>)
    %dma_wait3A_18 = tpu.memref_slice %arg3[%mul3A_14] : memref<5120xf32, #tpu.memory_space<hbm>> -> memref<1280xf32, #tpu.memory_space<hbm>>
    %dma_wait3A_19 = tpu.memref_slice %arg3[%mul3A_14] : memref<5120xf32, #tpu.memory_space<hbm>> -> memref<1280xf32, #tpu.memory_space<hbm>>
    tpu.wait_dma2 semaphore(%arg8 : memref<!tpu.dma_semaphore, #tpu.memory_space<semaphore_mem>>) src(%dma_wait3A_19 : memref<1280xf32, #tpu.memory_space<hbm>>) dst(%arg6 : memref<1280xf32, #tpu.memory_space<vmem>>)
    %scan3A = arith.constant 0 : i32
    %scan3A_20 = arith.constant 0 : i32
    %scan3A_21 = arith.constant 32 : i32
    %scan3A_22 = arith.addi %scan3A_20, %scan3A_21 : i32
    %scan3A_23 = arith.constant 1 : i32
    scf.for %scan3A_217 = %scan3A_20 to %scan3A_22 step %scan3A_23  : i32 {
      %mul3A_218 = arith.constant 16 : i32
      %mul3A_219 = arith.muli %scan3A_217, %mul3A_218 : i32
      %get3A = arith.index_cast %mul3A_219 : i32 to index
      %get3A_220 = tpu.vector_load %arg5[%get3A] {strides = array<i32>} : memref<512xi32, #tpu.memory_space<vmem>>, vector<16xi32>,
      %slice3A = vector.extract_strided_slice %get3A_220 {offsets = [0], sizes = [1], strides = [1]} : vector<16xi32> to vector<1xi32>
      %squeeze3A = vector.extract %slice3A[0] : i32 from vector<1xi32>
      %mul3A_221 = arith.constant 128 : i32
      %mul3A_222 = arith.muli %squeeze3A, %mul3A_221 : i32
      %slice3A_223 = vector.extract_strided_slice %get3A_220 {offsets = [1], sizes = [1], strides = [1]} : vector<16xi32> to vector<1xi32>
      %squeeze3A_224 = vector.extract %slice3A_223[0] : i32 from vector<1xi32>
      %mul3A_225 = arith.constant 128 : i32
      %mul3A_226 = arith.muli %squeeze3A_224, %mul3A_225 : i32
      %slice3A_227 = vector.extract_strided_slice %get3A_220 {offsets = [2], sizes = [1], strides = [1]} : vector<16xi32> to vector<1xi32>
      %squeeze3A_228 = vector.extract %slice3A_227[0] : i32 from vector<1xi32>
      %mul3A_229 = arith.constant 128 : i32
      %mul3A_230 = arith.muli %squeeze3A_228, %mul3A_229 : i32
      %slice3A_231 = vector.extract_strided_slice %get3A_220 {offsets = [3], sizes = [1], strides = [1]} : vector<16xi32> to vector<1xi32>
      %squeeze3A_232 = vector.extract %slice3A_231[0] : i32 from vector<1xi32>
      %mul3A_233 = arith.constant 128 : i32
      %mul3A_234 = arith.muli %squeeze3A_232, %mul3A_233 : i32
      %slice3A_235 = vector.extract_strided_slice %get3A_220 {offsets = [4], sizes = [1], strides = [1]} : vector<16xi32> to vector<1xi32>
      %squeeze3A_236 = vector.extract %slice3A_235[0] : i32 from vector<1xi32>
      %mul3A_237 = arith.constant 128 : i32
      %mul3A_238 = arith.muli %squeeze3A_236, %mul3A_237 : i32
      %slice3A_239 = vector.extract_strided_slice %get3A_220 {offsets = [5], sizes = [1], strides = [1]} : vector<16xi32> to vector<1xi32>
      %squeeze3A_240 = vector.extract %slice3A_239[0] : i32 from vector<1xi32>
      %mul3A_241 = arith.constant 128 : i32
      %mul3A_242 = arith.muli %squeeze3A_240, %mul3A_241 : i32
      %slice3A_243 = vector.extract_strided_slice %get3A_220 {offsets = [6], sizes = [1], strides = [1]} : vector<16xi32> to vector<1xi32>
      %squeeze3A_244 = vector.extract %slice3A_243[0] : i32 from vector<1xi32>
      %mul3A_245 = arith.constant 128 : i32
      %mul3A_246 = arith.muli %squeeze3A_244, %mul3A_245 : i32
      %slice3A_247 = vector.extract_strided_slice %get3A_220 {offsets = [7], sizes = [1], strides = [1]} : vector<16xi32> to vector<1xi32>
      %squeeze3A_248 = vector.extract %slice3A_247[0] : i32 from vector<1xi32>
      %mul3A_249 = arith.constant 128 : i32
      %mul3A_250 = arith.muli %squeeze3A_248, %mul3A_249 : i32
      %slice3A_251 = vector.extract_strided_slice %get3A_220 {offsets = [8], sizes = [1], strides = [1]} : vector<16xi32> to vector<1xi32>
      %squeeze3A_252 = vector.extract %slice3A_251[0] : i32 from vector<1xi32>
      %mul3A_253 = arith.constant 128 : i32
      %mul3A_254 = arith.muli %squeeze3A_252, %mul3A_253 : i32
      %slice3A_255 = vector.extract_strided_slice %get3A_220 {offsets = [9], sizes = [1], strides = [1]} : vector<16xi32> to vector<1xi32>
      %squeeze3A_256 = vector.extract %slice3A_255[0] : i32 from vector<1xi32>
      %mul3A_257 = arith.constant 128 : i32
      %mul3A_258 = arith.muli %squeeze3A_256, %mul3A_257 : i32
      %slice3A_259 = vector.extract_strided_slice %get3A_220 {offsets = [10], sizes = [1], strides = [1]} : vector<16xi32> to vector<1xi32>
      %squeeze3A_260 = vector.extract %slice3A_259[0] : i32 from vector<1xi32>
      %mul3A_261 = arith.constant 128 : i32
      %mul3A_262 = arith.muli %squeeze3A_260, %mul3A_261 : i32
      %slice3A_263 = vector.extract_strided_slice %get3A_220 {offsets = [11], sizes = [1], strides = [1]} : vector<16xi32> to vector<1xi32>
      %squeeze3A_264 = vector.extract %slice3A_263[0] : i32 from vector<1xi32>
      %mul3A_265 = arith.constant 128 : i32
      %mul3A_266 = arith.muli %squeeze3A_264, %mul3A_265 : i32
      %slice3A_267 = vector.extract_strided_slice %get3A_220 {offsets = [12], sizes = [1], strides = [1]} : vector<16xi32> to vector<1xi32>
      %squeeze3A_268 = vector.extract %slice3A_267[0] : i32 from vector<1xi32>
      %mul3A_269 = arith.constant 128 : i32
      %mul3A_270 = arith.muli %squeeze3A_268, %mul3A_269 : i32
      %slice3A_271 = vector.extract_strided_slice %get3A_220 {offsets = [13], sizes = [1], strides = [1]} : vector<16xi32> to vector<1xi32>
      %squeeze3A_272 = vector.extract %slice3A_271[0] : i32 from vector<1xi32>
      %mul3A_273 = arith.constant 128 : i32
      %mul3A_274 = arith.muli %squeeze3A_272, %mul3A_273 : i32
      %slice3A_275 = vector.extract_strided_slice %get3A_220 {offsets = [14], sizes = [1], strides = [1]} : vector<16xi32> to vector<1xi32>
      %squeeze3A_276 = vector.extract %slice3A_275[0] : i32 from vector<1xi32>
      %mul3A_277 = arith.constant 128 : i32
      %mul3A_278 = arith.muli %squeeze3A_276, %mul3A_277 : i32
      %slice3A_279 = vector.extract_strided_slice %get3A_220 {offsets = [15], sizes = [1], strides = [1]} : vector<16xi32> to vector<1xi32>
      %squeeze3A_280 = vector.extract %slice3A_279[0] : i32 from vector<1xi32>
      %mul3A_281 = arith.constant 128 : i32
      %mul3A_282 = arith.muli %squeeze3A_280, %mul3A_281 : i32
      %add3A_283 = arith.constant 0 : i32
      %add3A_284 = arith.addi %mul3A_222, %add3A_283 : i32
      %get3A_285 = arith.index_cast %add3A_284 : i32 to index
      %get3A_286 = tpu.vector_load %arg6[%get3A_285] {strides = array<i32>} : memref<1280xf32, #tpu.memory_space<vmem>>, vector<16xf32>,
      %add3A_287 = arith.constant 16 : i32
      %add3A_288 = arith.addi %mul3A_222, %add3A_287 : i32
      %get3A_289 = arith.index_cast %add3A_288 : i32 to index
      %get3A_290 = tpu.vector_load %arg6[%get3A_289] {strides = array<i32>} : memref<1280xf32, #tpu.memory_space<vmem>>, vector<16xf32>,
      %add3A_291 = arith.constant 32 : i32
      %add3A_292 = arith.addi %mul3A_222, %add3A_291 : i32
      %get3A_293 = arith.index_cast %add3A_292 : i32 to index
      %get3A_294 = tpu.vector_load %arg6[%get3A_293] {strides = array<i32>} : memref<1280xf32, #tpu.memory_space<vmem>>, vector<16xf32>,
      %add3A_295 = arith.constant 48 : i32
      %add3A_296 = arith.addi %mul3A_222, %add3A_295 : i32
      %get3A_297 = arith.index_cast %add3A_296 : i32 to index
      %get3A_298 = tpu.vector_load %arg6[%get3A_297] {strides = array<i32>} : memref<1280xf32, #tpu.memory_space<vmem>>, vector<16xf32>,
      %add3A_299 = arith.constant 64 : i32
      %add3A_300 = arith.addi %mul3A_222, %add3A_299 : i32
      %get3A_301 = arith.index_cast %add3A_300 : i32 to index
      %get3A_302 = tpu.vector_load %arg6[%get3A_301] {strides = array<i32>} : memref<1280xf32, #tpu.memory_space<vmem>>, vector<16xf32>,
      %add3A_303 = arith.constant 80 : i32
      %add3A_304 = arith.addi %mul3A_222, %add3A_303 : i32
      %get3A_305 = arith.index_cast %add3A_304 : i32 to index
      %get3A_306 = tpu.vector_load %arg6[%get3A_305] {strides = array<i32>} : memref<1280xf32, #tpu.memory_space<vmem>>, vector<16xf32>,
      %add3A_307 = arith.constant 96 : i32
      %add3A_308 = arith.addi %mul3A_222, %add3A_307 : i32
      %get3A_309 = arith.index_cast %add3A_308 : i32 to index
      %get3A_310 = tpu.vector_load %arg6[%get3A_309] {strides = array<i32>} : memref<1280xf32, #tpu.memory_space<vmem>>, vector<16xf32>,
      %add3A_311 = arith.constant 112 : i32
      %add3A_312 = arith.addi %mul3A_222, %add3A_311 : i32
      %get3A_313 = arith.index_cast %add3A_312 : i32 to index
      %get3A_314 = tpu.vector_load %arg6[%get3A_313] {strides = array<i32>} : memref<1280xf32, #tpu.memory_space<vmem>>, vector<16xf32>,
      %add3A_315 = arith.constant 0 : i32
      %add3A_316 = arith.addi %mul3A_226, %add3A_315 : i32
      %get3A_317 = arith.index_cast %add3A_316 : i32 to index
      %get3A_318 = tpu.vector_load %arg6[%get3A_317] {strides = array<i32>} : memref<1280xf32, #tpu.memory_space<vmem>>, vector<16xf32>,
      %mul3A_319 = arith.constant 16 : i32
      %mul3A_320 = arith.muli %scan3A_217, %mul3A_319 : i32
      %add3A_321 = arith.constant 1 : i32
      %add3A_322 = arith.addi %mul3A_320, %add3A_321 : i32
      %sub3A = arith.constant 1 : i32
      %sub3A_323 = arith.subi %add3A_322, %sub3A : i32
      %swap3A = arith.index_cast %sub3A_323 : i32 to index
      %swap3A_324 = arith.constant 0 : index
      %swap3A_325 = tpu.vector_load %arg7[%swap3A, %swap3A_324] {strides = array<i32>} : memref<512x128xf32, #tpu.memory_space<vmem>>, vector<16xf32>,
      tpu.vector_store %arg7[%swap3A, %swap3A_324], %get3A_286 {strides = array<i32>} : memref<512x128xf32, #tpu.memory_space<vmem>>, vector<16xf32>,
      %add3A_326 = arith.constant 16 : i32
      %add3A_327 = arith.addi %mul3A_226, %add3A_326 : i32
      %get3A_328 = arith.index_cast %add3A_327 : i32 to index
      %get3A_329 = tpu.vector_load %arg6[%get3A_328] {strides = array<i32>} : memref<1280xf32, #tpu.memory_space<vmem>>, vector<16xf32>,
      %mul3A_330 = arith.constant 16 : i32
      %mul3A_331 = arith.muli %scan3A_217, %mul3A_330 : i32
      %add3A_332 = arith.constant 1 : i32
      %add3A_333 = arith.addi %mul3A_331, %add3A_332 : i32
      %sub3A_334 = arith.constant 1 : i32
      %sub3A_335 = arith.subi %add3A_333, %sub3A_334 : i32
      %swap3A_336 = arith.index_cast %sub3A_335 : i32 to index
      %swap3A_337 = arith.constant 16 : index
      %swap3A_338 = tpu.vector_load %arg7[%swap3A_336, %swap3A_337] {strides = array<i32>} : memref<512x128xf32, #tpu.memory_space<vmem>>, vector<16xf32>,
      tpu.vector_store %arg7[%swap3A_336, %swap3A_337], %get3A_290 {strides = array<i32>} : memref<512x128xf32, #tpu.memory_space<vmem>>, vector<16xf32>,
      %add3A_339 = arith.constant 32 : i32
      %add3A_340 = arith.addi %mul3A_226, %add3A_339 : i32
      %get3A_341 = arith.index_cast %add3A_340 : i32 to index
      %get3A_342 = tpu.vector_load %arg6[%get3A_341] {strides = array<i32>} : memref<1280xf32, #tpu.memory_space<vmem>>, vector<16xf32>,
      %mul3A_343 = arith.constant 16 : i32
      %mul3A_344 = arith.muli %scan3A_217, %mul3A_343 : i32
      %add3A_345 = arith.constant 1 : i32
      %add3A_346 = arith.addi %mul3A_344, %add3A_345 : i32
      %sub3A_347 = arith.constant 1 : i32
      %sub3A_348 = arith.subi %add3A_346, %sub3A_347 : i32
      %swap3A_349 = arith.index_cast %sub3A_348 : i32 to index
      %swap3A_350 = arith.constant 32 : index
      %swap3A_351 = tpu.vector_load %arg7[%swap3A_349, %swap3A_350] {strides = array<i32>} : memref<512x128xf32, #tpu.memory_space<vmem>>, vector<16xf32>,
      tpu.vector_store %arg7[%swap3A_349, %swap3A_350], %get3A_294 {strides = array<i32>} : memref<512x128xf32, #tpu.memory_space<vmem>>, vector<16xf32>,
      %add3A_352 = arith.constant 48 : i32
      %add3A_353 = arith.addi %mul3A_226, %add3A_352 : i32
      %get3A_354 = arith.index_cast %add3A_353 : i32 to index
      %get3A_355 = tpu.vector_load %arg6[%get3A_354] {strides = array<i32>} : memref<1280xf32, #tpu.memory_space<vmem>>, vector<16xf32>,
      %mul3A_356 = arith.constant 16 : i32
      %mul3A_357 = arith.muli %scan3A_217, %mul3A_356 : i32
      %add3A_358 = arith.constant 1 : i32
      %add3A_359 = arith.addi %mul3A_357, %add3A_358 : i32
      %sub3A_360 = arith.constant 1 : i32
      %sub3A_361 = arith.subi %add3A_359, %sub3A_360 : i32
      %swap3A_362 = arith.index_cast %sub3A_361 : i32 to index
      %swap3A_363 = arith.constant 48 : index
      %swap3A_364 = tpu.vector_load %arg7[%swap3A_362, %swap3A_363] {strides = array<i32>} : memref<512x128xf32, #tpu.memory_space<vmem>>, vector<16xf32>,
      tpu.vector_store %arg7[%swap3A_362, %swap3A_363], %get3A_298 {strides = array<i32>} : memref<512x128xf32, #tpu.memory_space<vmem>>, vector<16xf32>,
      %add3A_365 = arith.constant 64 : i32
      %add3A_366 = arith.addi %mul3A_226, %add3A_365 : i32
      %get3A_367 = arith.index_cast %add3A_366 : i32 to index
      %get3A_368 = tpu.vector_load %arg6[%get3A_367] {strides = array<i32>} : memref<1280xf32, #tpu.memory_space<vmem>>, vector<16xf32>,
      %mul3A_369 = arith.constant 16 : i32
      %mul3A_370 = arith.muli %scan3A_217, %mul3A_369 : i32
      %add3A_371 = arith.constant 1 : i32
      %add3A_372 = arith.addi %mul3A_370, %add3A_371 : i32
      %sub3A_373 = arith.constant 1 : i32
      %sub3A_374 = arith.subi %add3A_372, %sub3A_373 : i32
      %swap3A_375 = arith.index_cast %sub3A_374 : i32 to index
      %swap3A_376 = arith.constant 64 : index
      %swap3A_377 = tpu.vector_load %arg7[%swap3A_375, %swap3A_376] {strides = array<i32>} : memref<512x128xf32, #tpu.memory_space<vmem>>, vector<16xf32>,
      tpu.vector_store %arg7[%swap3A_375, %swap3A_376], %get3A_302 {strides = array<i32>} : memref<512x128xf32, #tpu.memory_space<vmem>>, vector<16xf32>,
      %add3A_378 = arith.constant 80 : i32
      %add3A_379 = arith.addi %mul3A_226, %add3A_378 : i32
      %get3A_380 = arith.index_cast %add3A_379 : i32 to index
      %get3A_381 = tpu.vector_load %arg6[%get3A_380] {strides = array<i32>} : memref<1280xf32, #tpu.memory_space<vmem>>, vector<16xf32>,
      %mul3A_382 = arith.constant 16 : i32
      %mul3A_383 = arith.muli %scan3A_217, %mul3A_382 : i32
      %add3A_384 = arith.constant 1 : i32
      %add3A_385 = arith.addi %mul3A_383, %add3A_384 : i32
      %sub3A_386 = arith.constant 1 : i32
      %sub3A_387 = arith.subi %add3A_385, %sub3A_386 : i32
      %swap3A_388 = arith.index_cast %sub3A_387 : i32 to index
      %swap3A_389 = arith.constant 80 : index
      %swap3A_390 = tpu.vector_load %arg7[%swap3A_388, %swap3A_389] {strides = array<i32>} : memref<512x128xf32, #tpu.memory_space<vmem>>, vector<16xf32>,
      tpu.vector_store %arg7[%swap3A_388, %swap3A_389], %get3A_306 {strides = array<i32>} : memref<512x128xf32, #tpu.memory_space<vmem>>, vector<16xf32>,
      %add3A_391 = arith.constant 96 : i32
      %add3A_392 = arith.addi %mul3A_226, %add3A_391 : i32
      %get3A_393 = arith.index_cast %add3A_392 : i32 to index
      %get3A_394 = tpu.vector_load %arg6[%get3A_393] {strides = array<i32>} : memref<1280xf32, #tpu.memory_space<vmem>>, vector<16xf32>,
      %mul3A_395 = arith.constant 16 : i32
      %mul3A_396 = arith.muli %scan3A_217, %mul3A_395 : i32
      %add3A_397 = arith.constant 1 : i32
      %add3A_398 = arith.addi %mul3A_396, %add3A_397 : i32
      %sub3A_399 = arith.constant 1 : i32
      %sub3A_400 = arith.subi %add3A_398, %sub3A_399 : i32
      %swap3A_401 = arith.index_cast %sub3A_400 : i32 to index
      %swap3A_402 = arith.constant 96 : index
      %swap3A_403 = tpu.vector_load %arg7[%swap3A_401, %swap3A_402] {strides = array<i32>} : memref<512x128xf32, #tpu.memory_space<vmem>>, vector<16xf32>,
      tpu.vector_store %arg7[%swap3A_401, %swap3A_402], %get3A_310 {strides = array<i32>} : memref<512x128xf32, #tpu.memory_space<vmem>>, vector<16xf32>,
      %add3A_404 = arith.constant 112 : i32
      %add3A_405 = arith.addi %mul3A_226, %add3A_404 : i32
      %get3A_406 = arith.index_cast %add3A_405 : i32 to index
      %get3A_407 = tpu.vector_load %arg6[%get3A_406] {strides = array<i32>} : memref<1280xf32, #tpu.memory_space<vmem>>, vector<16xf32>,
      %mul3A_408 = arith.constant 16 : i32
      %mul3A_409 = arith.muli %scan3A_217, %mul3A_408 : i32
      %add3A_410 = arith.constant 1 : i32
      %add3A_411 = arith.addi %mul3A_409, %add3A_410 : i32
      %sub3A_412 = arith.constant 1 : i32
      %sub3A_413 = arith.subi %add3A_411, %sub3A_412 : i32
      %swap3A_414 = arith.index_cast %sub3A_413 : i32 to index
      %swap3A_415 = arith.constant 112 : index
      %swap3A_416 = tpu.vector_load %arg7[%swap3A_414, %swap3A_415] {strides = array<i32>} : memref<512x128xf32, #tpu.memory_space<vmem>>, vector<16xf32>,
      tpu.vector_store %arg7[%swap3A_414, %swap3A_415], %get3A_314 {strides = array<i32>} : memref<512x128xf32, #tpu.memory_space<vmem>>, vector<16xf32>,
      %add3A_417 = arith.constant 0 : i32
      %add3A_418 = arith.addi %mul3A_230, %add3A_417 : i32
      %get3A_419 = arith.index_cast %add3A_418 : i32 to index
      %get3A_420 = tpu.vector_load %arg6[%get3A_419] {strides = array<i32>} : memref<1280xf32, #tpu.memory_space<vmem>>, vector<16xf32>,
      %mul3A_421 = arith.constant 16 : i32
      %mul3A_422 = arith.muli %scan3A_217, %mul3A_421 : i32
      %add3A_423 = arith.constant 2 : i32
      %add3A_424 = arith.addi %mul3A_422, %add3A_423 : i32
      %sub3A_425 = arith.constant 1 : i32
      %sub3A_426 = arith.subi %add3A_424, %sub3A_425 : i32
      %swap3A_427 = arith.index_cast %sub3A_426 : i32 to index
      %swap3A_428 = arith.constant 0 : index
      %swap3A_429 = tpu.vector_load %arg7[%swap3A_427, %swap3A_428] {strides = array<i32>} : memref<512x128xf32, #tpu.memory_space<vmem>>, vector<16xf32>,
      tpu.vector_store %arg7[%swap3A_427, %swap3A_428], %get3A_318 {strides = array<i32>} : memref<512x128xf32, #tpu.memory_space<vmem>>, vector<16xf32>,
      %add3A_430 = arith.constant 16 : i32
      %add3A_431 = arith.addi %mul3A_230, %add3A_430 : i32
      %get3A_432 = arith.index_cast %add3A_431 : i32 to index
      %get3A_433 = tpu.vector_load %arg6[%get3A_432] {strides = array<i32>} : memref<1280xf32, #tpu.memory_space<vmem>>, vector<16xf32>,
      %mul3A_434 = arith.constant 16 : i32
      %mul3A_435 = arith.muli %scan3A_217, %mul3A_434 : i32
      %add3A_436 = arith.constant 2 : i32
      %add3A_437 = arith.addi %mul3A_435, %add3A_436 : i32
      %sub3A_438 = arith.constant 1 : i32
      %sub3A_439 = arith.subi %add3A_437, %sub3A_438 : i32
      %swap3A_440 = arith.index_cast %sub3A_439 : i32 to index
      %swap3A_441 = arith.constant 16 : index
      %swap3A_442 = tpu.vector_load %arg7[%swap3A_440, %swap3A_441] {strides = array<i32>} : memref<512x128xf32, #tpu.memory_space<vmem>>, vector<16xf32>,
      tpu.vector_store %arg7[%swap3A_440, %swap3A_441], %get3A_329 {strides = array<i32>} : memref<512x128xf32, #tpu.memory_space<vmem>>, vector<16xf32>,
      %add3A_443 = arith.constant 32 : i32
      %add3A_444 = arith.addi %mul3A_230, %add3A_443 : i32
      %get3A_445 = arith.index_cast %add3A_444 : i32 to index
      %get3A_446 = tpu.vector_load %arg6[%get3A_445] {strides = array<i32>} : memref<1280xf32, #tpu.memory_space<vmem>>, vector<16xf32>,
      %mul3A_447 = arith.constant 16 : i32
      %mul3A_448 = arith.muli %scan3A_217, %mul3A_447 : i32
      %add3A_449 = arith.constant 2 : i32
      %add3A_450 = arith.addi %mul3A_448, %add3A_449 : i32
      %sub3A_451 = arith.constant 1 : i32
      %sub3A_452 = arith.subi %add3A_450, %sub3A_451 : i32
      %swap3A_453 = arith.index_cast %sub3A_452 : i32 to index
      %swap3A_454 = arith.constant 32 : index
      %swap3A_455 = tpu.vector_load %arg7[%swap3A_453, %swap3A_454] {strides = array<i32>} : memref<512x128xf32, #tpu.memory_space<vmem>>, vector<16xf32>,
      tpu.vector_store %arg7[%swap3A_453, %swap3A_454], %get3A_342 {strides = array<i32>} : memref<512x128xf32, #tpu.memory_space<vmem>>, vector<16xf32>,
      %add3A_456 = arith.constant 48 : i32
      %add3A_457 = arith.addi %mul3A_230, %add3A_456 : i32
      %get3A_458 = arith.index_cast %add3A_457 : i32 to index
      %get3A_459 = tpu.vector_load %arg6[%get3A_458] {strides = array<i32>} : memref<1280xf32, #tpu.memory_space<vmem>>, vector<16xf32>,
      %mul3A_460 = arith.constant 16 : i32
      %mul3A_461 = arith.muli %scan3A_217, %mul3A_460 : i32
      %add3A_462 = arith.constant 2 : i32
      %add3A_463 = arith.addi %mul3A_461, %add3A_462 : i32
      %sub3A_464 = arith.constant 1 : i32
      %sub3A_465 = arith.subi %add3A_463, %sub3A_464 : i32
      %swap3A_466 = arith.index_cast %sub3A_465 : i32 to index
      %swap3A_467 = arith.constant 48 : index
      %swap3A_468 = tpu.vector_load %arg7[%swap3A_466, %swap3A_467] {strides = array<i32>} : memref<512x128xf32, #tpu.memory_space<vmem>>, vector<16xf32>,
      tpu.vector_store %arg7[%swap3A_466, %swap3A_467], %get3A_355 {strides = array<i32>} : memref<512x128xf32, #tpu.memory_space<vmem>>, vector<16xf32>,
      %add3A_469 = arith.constant 64 : i32
      %add3A_470 = arith.addi %mul3A_230, %add3A_469 : i32
      %get3A_471 = arith.index_cast %add3A_470 : i32 to index
      %get3A_472 = tpu.vector_load %arg6[%get3A_471] {strides = array<i32>} : memref<1280xf32, #tpu.memory_space<vmem>>, vector<16xf32>,
      %mul3A_473 = arith.constant 16 : i32
      %mul3A_474 = arith.muli %scan3A_217, %mul3A_473 : i32
      %add3A_475 = arith.constant 2 : i32
      %add3A_476 = arith.addi %mul3A_474, %add3A_475 : i32
      %sub3A_477 = arith.constant 1 : i32
      %sub3A_478 = arith.subi %add3A_476, %sub3A_477 : i32
      %swap3A_479 = arith.index_cast %sub3A_478 : i32 to index
      %swap3A_480 = arith.constant 64 : index
      %swap3A_481 = tpu.vector_load %arg7[%swap3A_479, %swap3A_480] {strides = array<i32>} : memref<512x128xf32, #tpu.memory_space<vmem>>, vector<16xf32>,
      tpu.vector_store %arg7[%swap3A_479, %swap3A_480], %get3A_368 {strides = array<i32>} : memref<512x128xf32, #tpu.memory_space<vmem>>, vector<16xf32>,
      %add3A_482 = arith.constant 80 : i32
      %add3A_483 = arith.addi %mul3A_230, %add3A_482 : i32
      %get3A_484 = arith.index_cast %add3A_483 : i32 to index
      %get3A_485 = tpu.vector_load %arg6[%get3A_484] {strides = array<i32>} : memref<1280xf32, #tpu.memory_space<vmem>>, vector<16xf32>,
      %mul3A_486 = arith.constant 16 : i32
      %mul3A_487 = arith.muli %scan3A_217, %mul3A_486 : i32
      %add3A_488 = arith.constant 2 : i32
      %add3A_489 = arith.addi %mul3A_487, %add3A_488 : i32
      %sub3A_490 = arith.constant 1 : i32
      %sub3A_491 = arith.subi %add3A_489, %sub3A_490 : i32
      %swap3A_492 = arith.index_cast %sub3A_491 : i32 to index
      %swap3A_493 = arith.constant 80 : index
      %swap3A_494 = tpu.vector_load %arg7[%swap3A_492, %swap3A_493] {strides = array<i32>} : memref<512x128xf32, #tpu.memory_space<vmem>>, vector<16xf32>,
      tpu.vector_store %arg7[%swap3A_492, %swap3A_493], %get3A_381 {strides = array<i32>} : memref<512x128xf32, #tpu.memory_space<vmem>>, vector<16xf32>,
      %add3A_495 = arith.constant 96 : i32
      %add3A_496 = arith.addi %mul3A_230, %add3A_495 : i32
      %get3A_497 = arith.index_cast %add3A_496 : i32 to index
      %get3A_498 = tpu.vector_load %arg6[%get3A_497] {strides = array<i32>} : memref<1280xf32, #tpu.memory_space<vmem>>, vector<16xf32>,
      %mul3A_499 = arith.constant 16 : i32
      %mul3A_500 = arith.muli %scan3A_217, %mul3A_499 : i32
      %add3A_501 = arith.constant 2 : i32
      %add3A_502 = arith.addi %mul3A_500, %add3A_501 : i32
      %sub3A_503 = arith.constant 1 : i32
      %sub3A_504 = arith.subi %add3A_502, %sub3A_503 : i32
      %swap3A_505 = arith.index_cast %sub3A_504 : i32 to index
      %swap3A_506 = arith.constant 96 : index
      %swap3A_507 = tpu.vector_load %arg7[%swap3A_505, %swap3A_506] {strides = array<i32>} : memref<512x128xf32, #tpu.memory_space<vmem>>, vector<16xf32>,
      tpu.vector_store %arg7[%swap3A_505, %swap3A_506], %get3A_394 {strides = array<i32>} : memref<512x128xf32, #tpu.memory_space<vmem>>, vector<16xf32>,
      %add3A_508 = arith.constant 112 : i32
      %add3A_509 = arith.addi %mul3A_230, %add3A_508 : i32
      %get3A_510 = arith.index_cast %add3A_509 : i32 to index
      %get3A_511 = tpu.vector_load %arg6[%get3A_510] {strides = array<i32>} : memref<1280xf32, #tpu.memory_space<vmem>>, vector<16xf32>,
      %mul3A_512 = arith.constant 16 : i32
      %mul3A_513 = arith.muli %scan3A_217, %mul3A_512 : i32
      %add3A_514 = arith.constant 2 : i32
      %add3A_515 = arith.addi %mul3A_513, %add3A_514 : i32
      %sub3A_516 = arith.constant 1 : i32
      %sub3A_517 = arith.subi %add3A_515, %sub3A_516 : i32
      %swap3A_518 = arith.index_cast %sub3A_517 : i32 to index
      %swap3A_519 = arith.constant 112 : index
      %swap3A_520 = tpu.vector_load %arg7[%swap3A_518, %swap3A_519] {strides = array<i32>} : memref<512x128xf32, #tpu.memory_space<vmem>>, vector<16xf32>,
      tpu.vector_store %arg7[%swap3A_518, %swap3A_519], %get3A_407 {strides = array<i32>} : memref<512x128xf32, #tpu.memory_space<vmem>>, vector<16xf32>,
      %add3A_521 = arith.constant 0 : i32
      %add3A_522 = arith.addi %mul3A_234, %add3A_521 : i32
      %get3A_523 = arith.index_cast %add3A_522 : i32 to index
      %get3A_524 = tpu.vector_load %arg6[%get3A_523] {strides = array<i32>} : memref<1280xf32, #tpu.memory_space<vmem>>, vector<16xf32>,
      %mul3A_525 = arith.constant 16 : i32
      %mul3A_526 = arith.muli %scan3A_217, %mul3A_525 : i32
      %add3A_527 = arith.constant 3 : i32
      %add3A_528 = arith.addi %mul3A_526, %add3A_527 : i32
      %sub3A_529 = arith.constant 1 : i32
      %sub3A_530 = arith.subi %add3A_528, %sub3A_529 : i32
      %swap3A_531 = arith.index_cast %sub3A_530 : i32 to index
      %swap3A_532 = arith.constant 0 : index
      %swap3A_533 = tpu.vector_load %arg7[%swap3A_531, %swap3A_532] {strides = array<i32>} : memref<512x128xf32, #tpu.memory_space<vmem>>, vector<16xf32>,
      tpu.vector_store %arg7[%swap3A_531, %swap3A_532], %get3A_420 {strides = array<i32>} : memref<512x128xf32, #tpu.memory_space<vmem>>, vector<16xf32>,
      %add3A_534 = arith.constant 16 : i32
      %add3A_535 = arith.addi %mul3A_234, %add3A_534 : i32
      %get3A_536 = arith.index_cast %add3A_535 : i32 to index
      %get3A_537 = tpu.vector_load %arg6[%get3A_536] {strides = array<i32>} : memref<1280xf32, #tpu.memory_space<vmem>>, vector<16xf32>,
      %mul3A_538 = arith.constant 16 : i32
      %mul3A_539 = arith.muli %scan3A_217, %mul3A_538 : i32
      %add3A_540 = arith.constant 3 : i32
      %add3A_541 = arith.addi %mul3A_539, %add3A_540 : i32
      %sub3A_542 = arith.constant 1 : i32
      %sub3A_543 = arith.subi %add3A_541, %sub3A_542 : i32
      %swap3A_544 = arith.index_cast %sub3A_543 : i32 to index
      %swap3A_545 = arith.constant 16 : index
      %swap3A_546 = tpu.vector_load %arg7[%swap3A_544, %swap3A_545] {strides = array<i32>} : memref<512x128xf32, #tpu.memory_space<vmem>>, vector<16xf32>,
      tpu.vector_store %arg7[%swap3A_544, %swap3A_545], %get3A_433 {strides = array<i32>} : memref<512x128xf32, #tpu.memory_space<vmem>>, vector<16xf32>,
      %add3A_547 = arith.constant 32 : i32
      %add3A_548 = arith.addi %mul3A_234, %add3A_547 : i32
      %get3A_549 = arith.index_cast %add3A_548 : i32 to index
      %get3A_550 = tpu.vector_load %arg6[%get3A_549] {strides = array<i32>} : memref<1280xf32, #tpu.memory_space<vmem>>, vector<16xf32>,
      %mul3A_551 = arith.constant 16 : i32
      %mul3A_552 = arith.muli %scan3A_217, %mul3A_551 : i32
      %add3A_553 = arith.constant 3 : i32
      %add3A_554 = arith.addi %mul3A_552, %add3A_553 : i32
      %sub3A_555 = arith.constant 1 : i32
      %sub3A_556 = arith.subi %add3A_554, %sub3A_555 : i32
      %swap3A_557 = arith.index_cast %sub3A_556 : i32 to index
      %swap3A_558 = arith.constant 32 : index
      %swap3A_559 = tpu.vector_load %arg7[%swap3A_557, %swap3A_558] {strides = array<i32>} : memref<512x128xf32, #tpu.memory_space<vmem>>, vector<16xf32>,
      tpu.vector_store %arg7[%swap3A_557, %swap3A_558], %get3A_446 {strides = array<i32>} : memref<512x128xf32, #tpu.memory_space<vmem>>, vector<16xf32>,
      %add3A_560 = arith.constant 48 : i32
      %add3A_561 = arith.addi %mul3A_234, %add3A_560 : i32
      %get3A_562 = arith.index_cast %add3A_561 : i32 to index
      %get3A_563 = tpu.vector_load %arg6[%get3A_562] {strides = array<i32>} : memref<1280xf32, #tpu.memory_space<vmem>>, vector<16xf32>,
      %mul3A_564 = arith.constant 16 : i32
      %mul3A_565 = arith.muli %scan3A_217, %mul3A_564 : i32
      %add3A_566 = arith.constant 3 : i32
      %add3A_567 = arith.addi %mul3A_565, %add3A_566 : i32
      %sub3A_568 = arith.constant 1 : i32
      %sub3A_569 = arith.subi %add3A_567, %sub3A_568 : i32
      %swap3A_570 = arith.index_cast %sub3A_569 : i32 to index
      %swap3A_571 = arith.constant 48 : index
      %swap3A_572 = tpu.vector_load %arg7[%swap3A_570, %swap3A_571] {strides = array<i32>} : memref<512x128xf32, #tpu.memory_space<vmem>>, vector<16xf32>,
      tpu.vector_store %arg7[%swap3A_570, %swap3A_571], %get3A_459 {strides = array<i32>} : memref<512x128xf32, #tpu.memory_space<vmem>>, vector<16xf32>,
      %add3A_573 = arith.constant 64 : i32
      %add3A_574 = arith.addi %mul3A_234, %add3A_573 : i32
      %get3A_575 = arith.index_cast %add3A_574 : i32 to index
      %get3A_576 = tpu.vector_load %arg6[%get3A_575] {strides = array<i32>} : memref<1280xf32, #tpu.memory_space<vmem>>, vector<16xf32>,
      %mul3A_577 = arith.constant 16 : i32
      %mul3A_578 = arith.muli %scan3A_217, %mul3A_577 : i32
      %add3A_579 = arith.constant 3 : i32
      %add3A_580 = arith.addi %mul3A_578, %add3A_579 : i32
      %sub3A_581 = arith.constant 1 : i32
      %sub3A_582 = arith.subi %add3A_580, %sub3A_581 : i32
      %swap3A_583 = arith.index_cast %sub3A_582 : i32 to index
      %swap3A_584 = arith.constant 64 : index
      %swap3A_585 = tpu.vector_load %arg7[%swap3A_583, %swap3A_584] {strides = array<i32>} : memref<512x128xf32, #tpu.memory_space<vmem>>, vector<16xf32>,
      tpu.vector_store %arg7[%swap3A_583, %swap3A_584], %get3A_472 {strides = array<i32>} : memref<512x128xf32, #tpu.memory_space<vmem>>, vector<16xf32>,
      %add3A_586 = arith.constant 80 : i32
      %add3A_587 = arith.addi %mul3A_234, %add3A_586 : i32
      %get3A_588 = arith.index_cast %add3A_587 : i32 to index
      %get3A_589 = tpu.vector_load %arg6[%get3A_588] {strides = array<i32>} : memref<1280xf32, #tpu.memory_space<vmem>>, vector<16xf32>,
      %mul3A_590 = arith.constant 16 : i32
      %mul3A_591 = arith.muli %scan3A_217, %mul3A_590 : i32
      %add3A_592 = arith.constant 3 : i32
      %add3A_593 = arith.addi %mul3A_591, %add3A_592 : i32
      %sub3A_594 = arith.constant 1 : i32
      %sub3A_595 = arith.subi %add3A_593, %sub3A_594 : i32
      %swap3A_596 = arith.index_cast %sub3A_595 : i32 to index
      %swap3A_597 = arith.constant 80 : index
      %swap3A_598 = tpu.vector_load %arg7[%swap3A_596, %swap3A_597] {strides = array<i32>} : memref<512x128xf32, #tpu.memory_space<vmem>>, vector<16xf32>,
      tpu.vector_store %arg7[%swap3A_596, %swap3A_597], %get3A_485 {strides = array<i32>} : memref<512x128xf32, #tpu.memory_space<vmem>>, vector<16xf32>,
      %add3A_599 = arith.constant 96 : i32
      %add3A_600 = arith.addi %mul3A_234, %add3A_599 : i32
      %get3A_601 = arith.index_cast %add3A_600 : i32 to index
      %get3A_602 = tpu.vector_load %arg6[%get3A_601] {strides = array<i32>} : memref<1280xf32, #tpu.memory_space<vmem>>, vector<16xf32>,
      %mul3A_603 = arith.constant 16 : i32
      %mul3A_604 = arith.muli %scan3A_217, %mul3A_603 : i32
      %add3A_605 = arith.constant 3 : i32
      %add3A_606 = arith.addi %mul3A_604, %add3A_605 : i32
      %sub3A_607 = arith.constant 1 : i32
      %sub3A_608 = arith.subi %add3A_606, %sub3A_607 : i32
      %swap3A_609 = arith.index_cast %sub3A_608 : i32 to index
      %swap3A_610 = arith.constant 96 : index
      %swap3A_611 = tpu.vector_load %arg7[%swap3A_609, %swap3A_610] {strides = array<i32>} : memref<512x128xf32, #tpu.memory_space<vmem>>, vector<16xf32>,
      tpu.vector_store %arg7[%swap3A_609, %swap3A_610], %get3A_498 {strides = array<i32>} : memref<512x128xf32, #tpu.memory_space<vmem>>, vector<16xf32>,
      %add3A_612 = arith.constant 112 : i32
      %add3A_613 = arith.addi %mul3A_234, %add3A_612 : i32
      %get3A_614 = arith.index_cast %add3A_613 : i32 to index
      %get3A_615 = tpu.vector_load %arg6[%get3A_614] {strides = array<i32>} : memref<1280xf32, #tpu.memory_space<vmem>>, vector<16xf32>,
      %mul3A_616 = arith.constant 16 : i32
      %mul3A_617 = arith.muli %scan3A_217, %mul3A_616 : i32
      %add3A_618 = arith.constant 3 : i32
      %add3A_619 = arith.addi %mul3A_617, %add3A_618 : i32
      %sub3A_620 = arith.constant 1 : i32
      %sub3A_621 = arith.subi %add3A_619, %sub3A_620 : i32
      %swap3A_622 = arith.index_cast %sub3A_621 : i32 to index
      %swap3A_623 = arith.constant 112 : index
      %swap3A_624 = tpu.vector_load %arg7[%swap3A_622, %swap3A_623] {strides = array<i32>} : memref<512x128xf32, #tpu.memory_space<vmem>>, vector<16xf32>,
      tpu.vector_store %arg7[%swap3A_622, %swap3A_623], %get3A_511 {strides = array<i32>} : memref<512x128xf32, #tpu.memory_space<vmem>>, vector<16xf32>,
      %add3A_625 = arith.constant 0 : i32
      %add3A_626 = arith.addi %mul3A_238, %add3A_625 : i32
      %get3A_627 = arith.index_cast %add3A_626 : i32 to index
      %get3A_628 = tpu.vector_load %arg6[%get3A_627] {strides = array<i32>} : memref<1280xf32, #tpu.memory_space<vmem>>, vector<16xf32>,
      %mul3A_629 = arith.constant 16 : i32
      %mul3A_630 = arith.muli %scan3A_217, %mul3A_629 : i32
      %add3A_631 = arith.constant 4 : i32
      %add3A_632 = arith.addi %mul3A_630, %add3A_631 : i32
      %sub3A_633 = arith.constant 1 : i32
      %sub3A_634 = arith.subi %add3A_632, %sub3A_633 : i32
      %swap3A_635 = arith.index_cast %sub3A_634 : i32 to index
      %swap3A_636 = arith.constant 0 : index
      %swap3A_637 = tpu.vector_load %arg7[%swap3A_635, %swap3A_636] {strides = array<i32>} : memref<512x128xf32, #tpu.memory_space<vmem>>, vector<16xf32>,
      tpu.vector_store %arg7[%swap3A_635, %swap3A_636], %get3A_524 {strides = array<i32>} : memref<512x128xf32, #tpu.memory_space<vmem>>, vector<16xf32>,
      %add3A_638 = arith.constant 16 : i32
      %add3A_639 = arith.addi %mul3A_238, %add3A_638 : i32
      %get3A_640 = arith.index_cast %add3A_639 : i32 to index
      %get3A_641 = tpu.vector_load %arg6[%get3A_640] {strides = array<i32>} : memref<1280xf32, #tpu.memory_space<vmem>>, vector<16xf32>,
      %mul3A_642 = arith.constant 16 : i32
      %mul3A_643 = arith.muli %scan3A_217, %mul3A_642 : i32
      %add3A_644 = arith.constant 4 : i32
      %add3A_645 = arith.addi %mul3A_643, %add3A_644 : i32
      %sub3A_646 = arith.constant 1 : i32
      %sub3A_647 = arith.subi %add3A_645, %sub3A_646 : i32
      %swap3A_648 = arith.index_cast %sub3A_647 : i32 to index
      %swap3A_649 = arith.constant 16 : index
      %swap3A_650 = tpu.vector_load %arg7[%swap3A_648, %swap3A_649] {strides = array<i32>} : memref<512x128xf32, #tpu.memory_space<vmem>>, vector<16xf32>,
      tpu.vector_store %arg7[%swap3A_648, %swap3A_649], %get3A_537 {strides = array<i32>} : memref<512x128xf32, #tpu.memory_space<vmem>>, vector<16xf32>,
      %add3A_651 = arith.constant 32 : i32
      %add3A_652 = arith.addi %mul3A_238, %add3A_651 : i32
      %get3A_653 = arith.index_cast %add3A_652 : i32 to index
      %get3A_654 = tpu.vector_load %arg6[%get3A_653] {strides = array<i32>} : memref<1280xf32, #tpu.memory_space<vmem>>, vector<16xf32>,
      %mul3A_655 = arith.constant 16 : i32
      %mul3A_656 = arith.muli %scan3A_217, %mul3A_655 : i32
      %add3A_657 = arith.constant 4 : i32
      %add3A_658 = arith.addi %mul3A_656, %add3A_657 : i32
      %sub3A_659 = arith.constant 1 : i32
      %sub3A_660 = arith.subi %add3A_658, %sub3A_659 : i32
      %swap3A_661 = arith.index_cast %sub3A_660 : i32 to index
      %swap3A_662 = arith.constant 32 : index
      %swap3A_663 = tpu.vector_load %arg7[%swap3A_661, %swap3A_662] {strides = array<i32>} : memref<512x128xf32, #tpu.memory_space<vmem>>, vector<16xf32>,
      tpu.vector_store %arg7[%swap3A_661, %swap3A_662], %get3A_550 {strides = array<i32>} : memref<512x128xf32, #tpu.memory_space<vmem>>, vector<16xf32>,
      %add3A_664 = arith.constant 48 : i32
      %add3A_665 = arith.addi %mul3A_238, %add3A_664 : i32
      %get3A_666 = arith.index_cast %add3A_665 : i32 to index
      %get3A_667 = tpu.vector_load %arg6[%get3A_666] {strides = array<i32>} : memref<1280xf32, #tpu.memory_space<vmem>>, vector<16xf32>,
      %mul3A_668 = arith.constant 16 : i32
      %mul3A_669 = arith.muli %scan3A_217, %mul3A_668 : i32
      %add3A_670 = arith.constant 4 : i32
      %add3A_671 = arith.addi %mul3A_669, %add3A_670 : i32
      %sub3A_672 = arith.constant 1 : i32
      %sub3A_673 = arith.subi %add3A_671, %sub3A_672 : i32
      %swap3A_674 = arith.index_cast %sub3A_673 : i32 to index
      %swap3A_675 = arith.constant 48 : index
      %swap3A_676 = tpu.vector_load %arg7[%swap3A_674, %swap3A_675] {strides = array<i32>} : memref<512x128xf32, #tpu.memory_space<vmem>>, vector<16xf32>,
      tpu.vector_store %arg7[%swap3A_674, %swap3A_675], %get3A_563 {strides = array<i32>} : memref<512x128xf32, #tpu.memory_space<vmem>>, vector<16xf32>,
      %add3A_677 = arith.constant 64 : i32
      %add3A_678 = arith.addi %mul3A_238, %add3A_677 : i32
      %get3A_679 = arith.index_cast %add3A_678 : i32 to index
      %get3A_680 = tpu.vector_load %arg6[%get3A_679] {strides = array<i32>} : memref<1280xf32, #tpu.memory_space<vmem>>, vector<16xf32>,
      %mul3A_681 = arith.constant 16 : i32
      %mul3A_682 = arith.muli %scan3A_217, %mul3A_681 : i32
      %add3A_683 = arith.constant 4 : i32
      %add3A_684 = arith.addi %mul3A_682, %add3A_683 : i32
      %sub3A_685 = arith.constant 1 : i32
      %sub3A_686 = arith.subi %add3A_684, %sub3A_685 : i32
      %swap3A_687 = arith.index_cast %sub3A_686 : i32 to index
      %swap3A_688 = arith.constant 64 : index
      %swap3A_689 = tpu.vector_load %arg7[%swap3A_687, %swap3A_688] {strides = array<i32>} : memref<512x128xf32, #tpu.memory_space<vmem>>, vector<16xf32>,
      tpu.vector_store %arg7[%swap3A_687, %swap3A_688], %get3A_576 {strides = array<i32>} : memref<512x128xf32, #tpu.memory_space<vmem>>, vector<16xf32>,
      %add3A_690 = arith.constant 80 : i32
      %add3A_691 = arith.addi %mul3A_238, %add3A_690 : i32
      %get3A_692 = arith.index_cast %add3A_691 : i32 to index
      %get3A_693 = tpu.vector_load %arg6[%get3A_692] {strides = array<i32>} : memref<1280xf32, #tpu.memory_space<vmem>>, vector<16xf32>,
      %mul3A_694 = arith.constant 16 : i32
      %mul3A_695 = arith.muli %scan3A_217, %mul3A_694 : i32
      %add3A_696 = arith.constant 4 : i32
      %add3A_697 = arith.addi %mul3A_695, %add3A_696 : i32
      %sub3A_698 = arith.constant 1 : i32
      %sub3A_699 = arith.subi %add3A_697, %sub3A_698 : i32
      %swap3A_700 = arith.index_cast %sub3A_699 : i32 to index
      %swap3A_701 = arith.constant 80 : index
      %swap3A_702 = tpu.vector_load %arg7[%swap3A_700, %swap3A_701] {strides = array<i32>} : memref<512x128xf32, #tpu.memory_space<vmem>>, vector<16xf32>,
      tpu.vector_store %arg7[%swap3A_700, %swap3A_701], %get3A_589 {strides = array<i32>} : memref<512x128xf32, #tpu.memory_space<vmem>>, vector<16xf32>,
      %add3A_703 = arith.constant 96 : i32
      %add3A_704 = arith.addi %mul3A_238, %add3A_703 : i32
      %get3A_705 = arith.index_cast %add3A_704 : i32 to index
      %get3A_706 = tpu.vector_load %arg6[%get3A_705] {strides = array<i32>} : memref<1280xf32, #tpu.memory_space<vmem>>, vector<16xf32>,
      %mul3A_707 = arith.constant 16 : i32
      %mul3A_708 = arith.muli %scan3A_217, %mul3A_707 : i32
      %add3A_709 = arith.constant 4 : i32
      %add3A_710 = arith.addi %mul3A_708, %add3A_709 : i32
      %sub3A_711 = arith.constant 1 : i32
      %sub3A_712 = arith.subi %add3A_710, %sub3A_711 : i32
      %swap3A_713 = arith.index_cast %sub3A_712 : i32 to index
      %swap3A_714 = arith.constant 96 : index
      %swap3A_715 = tpu.vector_load %arg7[%swap3A_713, %swap3A_714] {strides = array<i32>} : memref<512x128xf32, #tpu.memory_space<vmem>>, vector<16xf32>,
      tpu.vector_store %arg7[%swap3A_713, %swap3A_714], %get3A_602 {strides = array<i32>} : memref<512x128xf32, #tpu.memory_space<vmem>>, vector<16xf32>,
      %add3A_716 = arith.constant 112 : i32
      %add3A_717 = arith.addi %mul3A_238, %add3A_716 : i32
      %get3A_718 = arith.index_cast %add3A_717 : i32 to index
      %get3A_719 = tpu.vector_load %arg6[%get3A_718] {strides = array<i32>} : memref<1280xf32, #tpu.memory_space<vmem>>, vector<16xf32>,
      %mul3A_720 = arith.constant 16 : i32
      %mul3A_721 = arith.muli %scan3A_217, %mul3A_720 : i32
      %add3A_722 = arith.constant 4 : i32
      %add3A_723 = arith.addi %mul3A_721, %add3A_722 : i32
      %sub3A_724 = arith.constant 1 : i32
      %sub3A_725 = arith.subi %add3A_723, %sub3A_724 : i32
      %swap3A_726 = arith.index_cast %sub3A_725 : i32 to index
      %swap3A_727 = arith.constant 112 : index
      %swap3A_728 = tpu.vector_load %arg7[%swap3A_726, %swap3A_727] {strides = array<i32>} : memref<512x128xf32, #tpu.memory_space<vmem>>, vector<16xf32>,
      tpu.vector_store %arg7[%swap3A_726, %swap3A_727], %get3A_615 {strides = array<i32>} : memref<512x128xf32, #tpu.memory_space<vmem>>, vector<16xf32>,
      %add3A_729 = arith.constant 0 : i32
      %add3A_730 = arith.addi %mul3A_242, %add3A_729 : i32
      %get3A_731 = arith.index_cast %add3A_730 : i32 to index
      %get3A_732 = tpu.vector_load %arg6[%get3A_731] {strides = array<i32>} : memref<1280xf32, #tpu.memory_space<vmem>>, vector<16xf32>,
      %mul3A_733 = arith.constant 16 : i32
      %mul3A_734 = arith.muli %scan3A_217, %mul3A_733 : i32
      %add3A_735 = arith.constant 5 : i32
      %add3A_736 = arith.addi %mul3A_734, %add3A_735 : i32
      %sub3A_737 = arith.constant 1 : i32
      %sub3A_738 = arith.subi %add3A_736, %sub3A_737 : i32
      %swap3A_739 = arith.index_cast %sub3A_738 : i32 to index
      %swap3A_740 = arith.constant 0 : index
      %swap3A_741 = tpu.vector_load %arg7[%swap3A_739, %swap3A_740] {strides = array<i32>} : memref<512x128xf32, #tpu.memory_space<vmem>>, vector<16xf32>,
      tpu.vector_store %arg7[%swap3A_739, %swap3A_740], %get3A_628 {strides = array<i32>} : memref<512x128xf32, #tpu.memory_space<vmem>>, vector<16xf32>,
      %add3A_742 = arith.constant 16 : i32
      %add3A_743 = arith.addi %mul3A_242, %add3A_742 : i32
      %get3A_744 = arith.index_cast %add3A_743 : i32 to index
      %get3A_745 = tpu.vector_load %arg6[%get3A_744] {strides = array<i32>} : memref<1280xf32, #tpu.memory_space<vmem>>, vector<16xf32>,
      %mul3A_746 = arith.constant 16 : i32
      %mul3A_747 = arith.muli %scan3A_217, %mul3A_746 : i32
      %add3A_748 = arith.constant 5 : i32
      %add3A_749 = arith.addi %mul3A_747, %add3A_748 : i32
      %sub3A_750 = arith.constant 1 : i32
      %sub3A_751 = arith.subi %add3A_749, %sub3A_750 : i32
      %swap3A_752 = arith.index_cast %sub3A_751 : i32 to index
      %swap3A_753 = arith.constant 16 : index
      %swap3A_754 = tpu.vector_load %arg7[%swap3A_752, %swap3A_753] {strides = array<i32>} : memref<512x128xf32, #tpu.memory_space<vmem>>, vector<16xf32>,
      tpu.vector_store %arg7[%swap3A_752, %swap3A_753], %get3A_641 {strides = array<i32>} : memref<512x128xf32, #tpu.memory_space<vmem>>, vector<16xf32>,
      %add3A_755 = arith.constant 32 : i32
      %add3A_756 = arith.addi %mul3A_242, %add3A_755 : i32
      %get3A_757 = arith.index_cast %add3A_756 : i32 to index
      %get3A_758 = tpu.vector_load %arg6[%get3A_757] {strides = array<i32>} : memref<1280xf32, #tpu.memory_space<vmem>>, vector<16xf32>,
      %mul3A_759 = arith.constant 16 : i32
      %mul3A_760 = arith.muli %scan3A_217, %mul3A_759 : i32
      %add3A_761 = arith.constant 5 : i32
      %add3A_762 = arith.addi %mul3A_760, %add3A_761 : i32
      %sub3A_763 = arith.constant 1 : i32
      %sub3A_764 = arith.subi %add3A_762, %sub3A_763 : i32
      %swap3A_765 = arith.index_cast %sub3A_764 : i32 to index
      %swap3A_766 = arith.constant 32 : index
      %swap3A_767 = tpu.vector_load %arg7[%swap3A_765, %swap3A_766] {strides = array<i32>} : memref<512x128xf32, #tpu.memory_space<vmem>>, vector<16xf32>,
      tpu.vector_store %arg7[%swap3A_765, %swap3A_766], %get3A_654 {strides = array<i32>} : memref<512x128xf32, #tpu.memory_space<vmem>>, vector<16xf32>,
      %add3A_768 = arith.constant 48 : i32
      %add3A_769 = arith.addi %mul3A_242, %add3A_768 : i32
      %get3A_770 = arith.index_cast %add3A_769 : i32 to index
      %get3A_771 = tpu.vector_load %arg6[%get3A_770] {strides = array<i32>} : memref<1280xf32, #tpu.memory_space<vmem>>, vector<16xf32>,
      %mul3A_772 = arith.constant 16 : i32
      %mul3A_773 = arith.muli %scan3A_217, %mul3A_772 : i32
      %add3A_774 = arith.constant 5 : i32
      %add3A_775 = arith.addi %mul3A_773, %add3A_774 : i32
      %sub3A_776 = arith.constant 1 : i32
      %sub3A_777 = arith.subi %add3A_775, %sub3A_776 : i32
      %swap3A_778 = arith.index_cast %sub3A_777 : i32 to index
      %swap3A_779 = arith.constant 48 : index
      %swap3A_780 = tpu.vector_load %arg7[%swap3A_778, %swap3A_779] {strides = array<i32>} : memref<512x128xf32, #tpu.memory_space<vmem>>, vector<16xf32>,
      tpu.vector_store %arg7[%swap3A_778, %swap3A_779], %get3A_667 {strides = array<i32>} : memref<512x128xf32, #tpu.memory_space<vmem>>, vector<16xf32>,
      %add3A_781 = arith.constant 64 : i32
      %add3A_782 = arith.addi %mul3A_242, %add3A_781 : i32
      %get3A_783 = arith.index_cast %add3A_782 : i32 to index
      %get3A_784 = tpu.vector_load %arg6[%get3A_783] {strides = array<i32>} : memref<1280xf32, #tpu.memory_space<vmem>>, vector<16xf32>,
      %mul3A_785 = arith.constant 16 : i32
      %mul3A_786 = arith.muli %scan3A_217, %mul3A_785 : i32
      %add3A_787 = arith.constant 5 : i32
      %add3A_788 = arith.addi %mul3A_786, %add3A_787 : i32
      %sub3A_789 = arith.constant 1 : i32
      %sub3A_790 = arith.subi %add3A_788, %sub3A_789 : i32
      %swap3A_791 = arith.index_cast %sub3A_790 : i32 to index
      %swap3A_792 = arith.constant 64 : index
      %swap3A_793 = tpu.vector_load %arg7[%swap3A_791, %swap3A_792] {strides = array<i32>} : memref<512x128xf32, #tpu.memory_space<vmem>>, vector<16xf32>,
      tpu.vector_store %arg7[%swap3A_791, %swap3A_792], %get3A_680 {strides = array<i32>} : memref<512x128xf32, #tpu.memory_space<vmem>>, vector<16xf32>,
      %add3A_794 = arith.constant 80 : i32
      %add3A_795 = arith.addi %mul3A_242, %add3A_794 : i32
      %get3A_796 = arith.index_cast %add3A_795 : i32 to index
      %get3A_797 = tpu.vector_load %arg6[%get3A_796] {strides = array<i32>} : memref<1280xf32, #tpu.memory_space<vmem>>, vector<16xf32>,
      %mul3A_798 = arith.constant 16 : i32
      %mul3A_799 = arith.muli %scan3A_217, %mul3A_798 : i32
      %add3A_800 = arith.constant 5 : i32
      %add3A_801 = arith.addi %mul3A_799, %add3A_800 : i32
      %sub3A_802 = arith.constant 1 : i32
      %sub3A_803 = arith.subi %add3A_801, %sub3A_802 : i32
      %swap3A_804 = arith.index_cast %sub3A_803 : i32 to index
      %swap3A_805 = arith.constant 80 : index
      %swap3A_806 = tpu.vector_load %arg7[%swap3A_804, %swap3A_805] {strides = array<i32>} : memref<512x128xf32, #tpu.memory_space<vmem>>, vector<16xf32>,
      tpu.vector_store %arg7[%swap3A_804, %swap3A_805], %get3A_693 {strides = array<i32>} : memref<512x128xf32, #tpu.memory_space<vmem>>, vector<16xf32>,
      %add3A_807 = arith.constant 96 : i32
      %add3A_808 = arith.addi %mul3A_242, %add3A_807 : i32
      %get3A_809 = arith.index_cast %add3A_808 : i32 to index
      %get3A_810 = tpu.vector_load %arg6[%get3A_809] {strides = array<i32>} : memref<1280xf32, #tpu.memory_space<vmem>>, vector<16xf32>,
      %mul3A_811 = arith.constant 16 : i32
      %mul3A_812 = arith.muli %scan3A_217, %mul3A_811 : i32
      %add3A_813 = arith.constant 5 : i32
      %add3A_814 = arith.addi %mul3A_812, %add3A_813 : i32
      %sub3A_815 = arith.constant 1 : i32
      %sub3A_816 = arith.subi %add3A_814, %sub3A_815 : i32
      %swap3A_817 = arith.index_cast %sub3A_816 : i32 to index
      %swap3A_818 = arith.constant 96 : index
      %swap3A_819 = tpu.vector_load %arg7[%swap3A_817, %swap3A_818] {strides = array<i32>} : memref<512x128xf32, #tpu.memory_space<vmem>>, vector<16xf32>,
      tpu.vector_store %arg7[%swap3A_817, %swap3A_818], %get3A_706 {strides = array<i32>} : memref<512x128xf32, #tpu.memory_space<vmem>>, vector<16xf32>,
      %add3A_820 = arith.constant 112 : i32
      %add3A_821 = arith.addi %mul3A_242, %add3A_820 : i32
      %get3A_822 = arith.index_cast %add3A_821 : i32 to index
      %get3A_823 = tpu.vector_load %arg6[%get3A_822] {strides = array<i32>} : memref<1280xf32, #tpu.memory_space<vmem>>, vector<16xf32>,
      %mul3A_824 = arith.constant 16 : i32
      %mul3A_825 = arith.muli %scan3A_217, %mul3A_824 : i32
      %add3A_826 = arith.constant 5 : i32
      %add3A_827 = arith.addi %mul3A_825, %add3A_826 : i32
      %sub3A_828 = arith.constant 1 : i32
      %sub3A_829 = arith.subi %add3A_827, %sub3A_828 : i32
      %swap3A_830 = arith.index_cast %sub3A_829 : i32 to index
      %swap3A_831 = arith.constant 112 : index
      %swap3A_832 = tpu.vector_load %arg7[%swap3A_830, %swap3A_831] {strides = array<i32>} : memref<512x128xf32, #tpu.memory_space<vmem>>, vector<16xf32>,
      tpu.vector_store %arg7[%swap3A_830, %swap3A_831], %get3A_719 {strides = array<i32>} : memref<512x128xf32, #tpu.memory_space<vmem>>, vector<16xf32>,
      %add3A_833 = arith.constant 0 : i32
      %add3A_834 = arith.addi %mul3A_246, %add3A_833 : i32
      %get3A_835 = arith.index_cast %add3A_834 : i32 to index
      %get3A_836 = tpu.vector_load %arg6[%get3A_835] {strides = array<i32>} : memref<1280xf32, #tpu.memory_space<vmem>>, vector<16xf32>,
      %mul3A_837 = arith.constant 16 : i32
      %mul3A_838 = arith.muli %scan3A_217, %mul3A_837 : i32
      %add3A_839 = arith.constant 6 : i32
      %add3A_840 = arith.addi %mul3A_838, %add3A_839 : i32
      %sub3A_841 = arith.constant 1 : i32
      %sub3A_842 = arith.subi %add3A_840, %sub3A_841 : i32
      %swap3A_843 = arith.index_cast %sub3A_842 : i32 to index
      %swap3A_844 = arith.constant 0 : index
      %swap3A_845 = tpu.vector_load %arg7[%swap3A_843, %swap3A_844] {strides = array<i32>} : memref<512x128xf32, #tpu.memory_space<vmem>>, vector<16xf32>,
      tpu.vector_store %arg7[%swap3A_843, %swap3A_844], %get3A_732 {strides = array<i32>} : memref<512x128xf32, #tpu.memory_space<vmem>>, vector<16xf32>,
      %add3A_846 = arith.constant 16 : i32
      %add3A_847 = arith.addi %mul3A_246, %add3A_846 : i32
      %get3A_848 = arith.index_cast %add3A_847 : i32 to index
      %get3A_849 = tpu.vector_load %arg6[%get3A_848] {strides = array<i32>} : memref<1280xf32, #tpu.memory_space<vmem>>, vector<16xf32>,
      %mul3A_850 = arith.constant 16 : i32
      %mul3A_851 = arith.muli %scan3A_217, %mul3A_850 : i32
      %add3A_852 = arith.constant 6 : i32
      %add3A_853 = arith.addi %mul3A_851, %add3A_852 : i32
      %sub3A_854 = arith.constant 1 : i32
      %sub3A_855 = arith.subi %add3A_853, %sub3A_854 : i32
      %swap3A_856 = arith.index_cast %sub3A_855 : i32 to index
      %swap3A_857 = arith.constant 16 : index
      %swap3A_858 = tpu.vector_load %arg7[%swap3A_856, %swap3A_857] {strides = array<i32>} : memref<512x128xf32, #tpu.memory_space<vmem>>, vector<16xf32>,
      tpu.vector_store %arg7[%swap3A_856, %swap3A_857], %get3A_745 {strides = array<i32>} : memref<512x128xf32, #tpu.memory_space<vmem>>, vector<16xf32>,
      %add3A_859 = arith.constant 32 : i32
      %add3A_860 = arith.addi %mul3A_246, %add3A_859 : i32
      %get3A_861 = arith.index_cast %add3A_860 : i32 to index
      %get3A_862 = tpu.vector_load %arg6[%get3A_861] {strides = array<i32>} : memref<1280xf32, #tpu.memory_space<vmem>>, vector<16xf32>,
      %mul3A_863 = arith.constant 16 : i32
      %mul3A_864 = arith.muli %scan3A_217, %mul3A_863 : i32
      %add3A_865 = arith.constant 6 : i32
      %add3A_866 = arith.addi %mul3A_864, %add3A_865 : i32
      %sub3A_867 = arith.constant 1 : i32
      %sub3A_868 = arith.subi %add3A_866, %sub3A_867 : i32
      %swap3A_869 = arith.index_cast %sub3A_868 : i32 to index
      %swap3A_870 = arith.constant 32 : index
      %swap3A_871 = tpu.vector_load %arg7[%swap3A_869, %swap3A_870] {strides = array<i32>} : memref<512x128xf32, #tpu.memory_space<vmem>>, vector<16xf32>,
      tpu.vector_store %arg7[%swap3A_869, %swap3A_870], %get3A_758 {strides = array<i32>} : memref<512x128xf32, #tpu.memory_space<vmem>>, vector<16xf32>,
      %add3A_872 = arith.constant 48 : i32
      %add3A_873 = arith.addi %mul3A_246, %add3A_872 : i32
      %get3A_874 = arith.index_cast %add3A_873 : i32 to index
      %get3A_875 = tpu.vector_load %arg6[%get3A_874] {strides = array<i32>} : memref<1280xf32, #tpu.memory_space<vmem>>, vector<16xf32>,
      %mul3A_876 = arith.constant 16 : i32
      %mul3A_877 = arith.muli %scan3A_217, %mul3A_876 : i32
      %add3A_878 = arith.constant 6 : i32
      %add3A_879 = arith.addi %mul3A_877, %add3A_878 : i32
      %sub3A_880 = arith.constant 1 : i32
      %sub3A_881 = arith.subi %add3A_879, %sub3A_880 : i32
      %swap3A_882 = arith.index_cast %sub3A_881 : i32 to index
      %swap3A_883 = arith.constant 48 : index
      %swap3A_884 = tpu.vector_load %arg7[%swap3A_882, %swap3A_883] {strides = array<i32>} : memref<512x128xf32, #tpu.memory_space<vmem>>, vector<16xf32>,
      tpu.vector_store %arg7[%swap3A_882, %swap3A_883], %get3A_771 {strides = array<i32>} : memref<512x128xf32, #tpu.memory_space<vmem>>, vector<16xf32>,
      %add3A_885 = arith.constant 64 : i32
      %add3A_886 = arith.addi %mul3A_246, %add3A_885 : i32
      %get3A_887 = arith.index_cast %add3A_886 : i32 to index
      %get3A_888 = tpu.vector_load %arg6[%get3A_887] {strides = array<i32>} : memref<1280xf32, #tpu.memory_space<vmem>>, vector<16xf32>,
      %mul3A_889 = arith.constant 16 : i32
      %mul3A_890 = arith.muli %scan3A_217, %mul3A_889 : i32
      %add3A_891 = arith.constant 6 : i32
      %add3A_892 = arith.addi %mul3A_890, %add3A_891 : i32
      %sub3A_893 = arith.constant 1 : i32
      %sub3A_894 = arith.subi %add3A_892, %sub3A_893 : i32
      %swap3A_895 = arith.index_cast %sub3A_894 : i32 to index
      %swap3A_896 = arith.constant 64 : index
      %swap3A_897 = tpu.vector_load %arg7[%swap3A_895, %swap3A_896] {strides = array<i32>} : memref<512x128xf32, #tpu.memory_space<vmem>>, vector<16xf32>,
      tpu.vector_store %arg7[%swap3A_895, %swap3A_896], %get3A_784 {strides = array<i32>} : memref<512x128xf32, #tpu.memory_space<vmem>>, vector<16xf32>,
      %add3A_898 = arith.constant 80 : i32
      %add3A_899 = arith.addi %mul3A_246, %add3A_898 : i32
      %get3A_900 = arith.index_cast %add3A_899 : i32 to index
      %get3A_901 = tpu.vector_load %arg6[%get3A_900] {strides = array<i32>} : memref<1280xf32, #tpu.memory_space<vmem>>, vector<16xf32>,
      %mul3A_902 = arith.constant 16 : i32
      %mul3A_903 = arith.muli %scan3A_217, %mul3A_902 : i32
      %add3A_904 = arith.constant 6 : i32
      %add3A_905 = arith.addi %mul3A_903, %add3A_904 : i32
      %sub3A_906 = arith.constant 1 : i32
      %sub3A_907 = arith.subi %add3A_905, %sub3A_906 : i32
      %swap3A_908 = arith.index_cast %sub3A_907 : i32 to index
      %swap3A_909 = arith.constant 80 : index
      %swap3A_910 = tpu.vector_load %arg7[%swap3A_908, %swap3A_909] {strides = array<i32>} : memref<512x128xf32, #tpu.memory_space<vmem>>, vector<16xf32>,
      tpu.vector_store %arg7[%swap3A_908, %swap3A_909], %get3A_797 {strides = array<i32>} : memref<512x128xf32, #tpu.memory_space<vmem>>, vector<16xf32>,
      %add3A_911 = arith.constant 96 : i32
      %add3A_912 = arith.addi %mul3A_246, %add3A_911 : i32
      %get3A_913 = arith.index_cast %add3A_912 : i32 to index
      %get3A_914 = tpu.vector_load %arg6[%get3A_913] {strides = array<i32>} : memref<1280xf32, #tpu.memory_space<vmem>>, vector<16xf32>,
      %mul3A_915 = arith.constant 16 : i32
      %mul3A_916 = arith.muli %scan3A_217, %mul3A_915 : i32
      %add3A_917 = arith.constant 6 : i32
      %add3A_918 = arith.addi %mul3A_916, %add3A_917 : i32
      %sub3A_919 = arith.constant 1 : i32
      %sub3A_920 = arith.subi %add3A_918, %sub3A_919 : i32
      %swap3A_921 = arith.index_cast %sub3A_920 : i32 to index
      %swap3A_922 = arith.constant 96 : index
      %swap3A_923 = tpu.vector_load %arg7[%swap3A_921, %swap3A_922] {strides = array<i32>} : memref<512x128xf32, #tpu.memory_space<vmem>>, vector<16xf32>,
      tpu.vector_store %arg7[%swap3A_921, %swap3A_922], %get3A_810 {strides = array<i32>} : memref<512x128xf32, #tpu.memory_space<vmem>>, vector<16xf32>,
      %add3A_924 = arith.constant 112 : i32
      %add3A_925 = arith.addi %mul3A_246, %add3A_924 : i32
      %get3A_926 = arith.index_cast %add3A_925 : i32 to index
      %get3A_927 = tpu.vector_load %arg6[%get3A_926] {strides = array<i32>} : memref<1280xf32, #tpu.memory_space<vmem>>, vector<16xf32>,
      %mul3A_928 = arith.constant 16 : i32
      %mul3A_929 = arith.muli %scan3A_217, %mul3A_928 : i32
      %add3A_930 = arith.constant 6 : i32
      %add3A_931 = arith.addi %mul3A_929, %add3A_930 : i32
      %sub3A_932 = arith.constant 1 : i32
      %sub3A_933 = arith.subi %add3A_931, %sub3A_932 : i32
      %swap3A_934 = arith.index_cast %sub3A_933 : i32 to index
      %swap3A_935 = arith.constant 112 : index
      %swap3A_936 = tpu.vector_load %arg7[%swap3A_934, %swap3A_935] {strides = array<i32>} : memref<512x128xf32, #tpu.memory_space<vmem>>, vector<16xf32>,
      tpu.vector_store %arg7[%swap3A_934, %swap3A_935], %get3A_823 {strides = array<i32>} : memref<512x128xf32, #tpu.memory_space<vmem>>, vector<16xf32>,
      %add3A_937 = arith.constant 0 : i32
      %add3A_938 = arith.addi %mul3A_250, %add3A_937 : i32
      %get3A_939 = arith.index_cast %add3A_938 : i32 to index
      %get3A_940 = tpu.vector_load %arg6[%get3A_939] {strides = array<i32>} : memref<1280xf32, #tpu.memory_space<vmem>>, vector<16xf32>,
      %mul3A_941 = arith.constant 16 : i32
      %mul3A_942 = arith.muli %scan3A_217, %mul3A_941 : i32
      %add3A_943 = arith.constant 7 : i32
      %add3A_944 = arith.addi %mul3A_942, %add3A_943 : i32
      %sub3A_945 = arith.constant 1 : i32
      %sub3A_946 = arith.subi %add3A_944, %sub3A_945 : i32
      %swap3A_947 = arith.index_cast %sub3A_946 : i32 to index
      %swap3A_948 = arith.constant 0 : index
      %swap3A_949 = tpu.vector_load %arg7[%swap3A_947, %swap3A_948] {strides = array<i32>} : memref<512x128xf32, #tpu.memory_space<vmem>>, vector<16xf32>,
      tpu.vector_store %arg7[%swap3A_947, %swap3A_948], %get3A_836 {strides = array<i32>} : memref<512x128xf32, #tpu.memory_space<vmem>>, vector<16xf32>,
      %add3A_950 = arith.constant 16 : i32
      %add3A_951 = arith.addi %mul3A_250, %add3A_950 : i32
      %get3A_952 = arith.index_cast %add3A_951 : i32 to index
      %get3A_953 = tpu.vector_load %arg6[%get3A_952] {strides = array<i32>} : memref<1280xf32, #tpu.memory_space<vmem>>, vector<16xf32>,
      %mul3A_954 = arith.constant 16 : i32
      %mul3A_955 = arith.muli %scan3A_217, %mul3A_954 : i32
      %add3A_956 = arith.constant 7 : i32
      %add3A_957 = arith.addi %mul3A_955, %add3A_956 : i32
      %sub3A_958 = arith.constant 1 : i32
      %sub3A_959 = arith.subi %add3A_957, %sub3A_958 : i32
      %swap3A_960 = arith.index_cast %sub3A_959 : i32 to index
      %swap3A_961 = arith.constant 16 : index
      %swap3A_962 = tpu.vector_load %arg7[%swap3A_960, %swap3A_961] {strides = array<i32>} : memref<512x128xf32, #tpu.memory_space<vmem>>, vector<16xf32>,
      tpu.vector_store %arg7[%swap3A_960, %swap3A_961], %get3A_849 {strides = array<i32>} : memref<512x128xf32, #tpu.memory_space<vmem>>, vector<16xf32>,
      %add3A_963 = arith.constant 32 : i32
      %add3A_964 = arith.addi %mul3A_250, %add3A_963 : i32
      %get3A_965 = arith.index_cast %add3A_964 : i32 to index
      %get3A_966 = tpu.vector_load %arg6[%get3A_965] {strides = array<i32>} : memref<1280xf32, #tpu.memory_space<vmem>>, vector<16xf32>,
      %mul3A_967 = arith.constant 16 : i32
      %mul3A_968 = arith.muli %scan3A_217, %mul3A_967 : i32
      %add3A_969 = arith.constant 7 : i32
      %add3A_970 = arith.addi %mul3A_968, %add3A_969 : i32
      %sub3A_971 = arith.constant 1 : i32
      %sub3A_972 = arith.subi %add3A_970, %sub3A_971 : i32
      %swap3A_973 = arith.index_cast %sub3A_972 : i32 to index
      %swap3A_974 = arith.constant 32 : index
      %swap3A_975 = tpu.vector_load %arg7[%swap3A_973, %swap3A_974] {strides = array<i32>} : memref<512x128xf32, #tpu.memory_space<vmem>>, vector<16xf32>,
      tpu.vector_store %arg7[%swap3A_973, %swap3A_974], %get3A_862 {strides = array<i32>} : memref<512x128xf32, #tpu.memory_space<vmem>>, vector<16xf32>,
      %add3A_976 = arith.constant 48 : i32
      %add3A_977 = arith.addi %mul3A_250, %add3A_976 : i32
      %get3A_978 = arith.index_cast %add3A_977 : i32 to index
      %get3A_979 = tpu.vector_load %arg6[%get3A_978] {strides = array<i32>} : memref<1280xf32, #tpu.memory_space<vmem>>, vector<16xf32>,
      %mul3A_980 = arith.constant 16 : i32
      %mul3A_981 = arith.muli %scan3A_217, %mul3A_980 : i32
      %add3A_982 = arith.constant 7 : i32
      %add3A_983 = arith.addi %mul3A_981, %add3A_982 : i32
      %sub3A_984 = arith.constant 1 : i32
      %sub3A_985 = arith.subi %add3A_983, %sub3A_984 : i32
      %swap3A_986 = arith.index_cast %sub3A_985 : i32 to index
      %swap3A_987 = arith.constant 48 : index
      %swap3A_988 = tpu.vector_load %arg7[%swap3A_986, %swap3A_987] {strides = array<i32>} : memref<512x128xf32, #tpu.memory_space<vmem>>, vector<16xf32>,
      tpu.vector_store %arg7[%swap3A_986, %swap3A_987], %get3A_875 {strides = array<i32>} : memref<512x128xf32, #tpu.memory_space<vmem>>, vector<16xf32>,
      %add3A_989 = arith.constant 64 : i32
      %add3A_990 = arith.addi %mul3A_250, %add3A_989 : i32
      %get3A_991 = arith.index_cast %add3A_990 : i32 to index
      %get3A_992 = tpu.vector_load %arg6[%get3A_991] {strides = array<i32>} : memref<1280xf32, #tpu.memory_space<vmem>>, vector<16xf32>,
      %mul3A_993 = arith.constant 16 : i32
      %mul3A_994 = arith.muli %scan3A_217, %mul3A_993 : i32
      %add3A_995 = arith.constant 7 : i32
      %add3A_996 = arith.addi %mul3A_994, %add3A_995 : i32
      %sub3A_997 = arith.constant 1 : i32
      %sub3A_998 = arith.subi %add3A_996, %sub3A_997 : i32
      %swap3A_999 = arith.index_cast %sub3A_998 : i32 to index
      %swap3A_1000 = arith.constant 64 : index
      %swap3A_1001 = tpu.vector_load %arg7[%swap3A_999, %swap3A_1000] {strides = array<i32>} : memref<512x128xf32, #tpu.memory_space<vmem>>, vector<16xf32>,
      tpu.vector_store %arg7[%swap3A_999, %swap3A_1000], %get3A_888 {strides = array<i32>} : memref<512x128xf32, #tpu.memory_space<vmem>>, vector<16xf32>,
      %add3A_1002 = arith.constant 80 : i32
      %add3A_1003 = arith.addi %mul3A_250, %add3A_1002 : i32
      %get3A_1004 = arith.index_cast %add3A_1003 : i32 to index
      %get3A_1005 = tpu.vector_load %arg6[%get3A_1004] {strides = array<i32>} : memref<1280xf32, #tpu.memory_space<vmem>>, vector<16xf32>,
      %mul3A_1006 = arith.constant 16 : i32
      %mul3A_1007 = arith.muli %scan3A_217, %mul3A_1006 : i32
      %add3A_1008 = arith.constant 7 : i32
      %add3A_1009 = arith.addi %mul3A_1007, %add3A_1008 : i32
      %sub3A_1010 = arith.constant 1 : i32
      %sub3A_1011 = arith.subi %add3A_1009, %sub3A_1010 : i32
      %swap3A_1012 = arith.index_cast %sub3A_1011 : i32 to index
      %swap3A_1013 = arith.constant 80 : index
      %swap3A_1014 = tpu.vector_load %arg7[%swap3A_1012, %swap3A_1013] {strides = array<i32>} : memref<512x128xf32, #tpu.memory_space<vmem>>, vector<16xf32>,
      tpu.vector_store %arg7[%swap3A_1012, %swap3A_1013], %get3A_901 {strides = array<i32>} : memref<512x128xf32, #tpu.memory_space<vmem>>, vector<16xf32>,
      %add3A_1015 = arith.constant 96 : i32
      %add3A_1016 = arith.addi %mul3A_250, %add3A_1015 : i32
      %get3A_1017 = arith.index_cast %add3A_1016 : i32 to index
      %get3A_1018 = tpu.vector_load %arg6[%get3A_1017] {strides = array<i32>} : memref<1280xf32, #tpu.memory_space<vmem>>, vector<16xf32>,
      %mul3A_1019 = arith.constant 16 : i32
      %mul3A_1020 = arith.muli %scan3A_217, %mul3A_1019 : i32
      %add3A_1021 = arith.constant 7 : i32
      %add3A_1022 = arith.addi %mul3A_1020, %add3A_1021 : i32
      %sub3A_1023 = arith.constant 1 : i32
      %sub3A_1024 = arith.subi %add3A_1022, %sub3A_1023 : i32
      %swap3A_1025 = arith.index_cast %sub3A_1024 : i32 to index
      %swap3A_1026 = arith.constant 96 : index
      %swap3A_1027 = tpu.vector_load %arg7[%swap3A_1025, %swap3A_1026] {strides = array<i32>} : memref<512x128xf32, #tpu.memory_space<vmem>>, vector<16xf32>,
      tpu.vector_store %arg7[%swap3A_1025, %swap3A_1026], %get3A_914 {strides = array<i32>} : memref<512x128xf32, #tpu.memory_space<vmem>>, vector<16xf32>,
      %add3A_1028 = arith.constant 112 : i32
      %add3A_1029 = arith.addi %mul3A_250, %add3A_1028 : i32
      %get3A_1030 = arith.index_cast %add3A_1029 : i32 to index
      %get3A_1031 = tpu.vector_load %arg6[%get3A_1030] {strides = array<i32>} : memref<1280xf32, #tpu.memory_space<vmem>>, vector<16xf32>,
      %mul3A_1032 = arith.constant 16 : i32
      %mul3A_1033 = arith.muli %scan3A_217, %mul3A_1032 : i32
      %add3A_1034 = arith.constant 7 : i32
      %add3A_1035 = arith.addi %mul3A_1033, %add3A_1034 : i32
      %sub3A_1036 = arith.constant 1 : i32
      %sub3A_1037 = arith.subi %add3A_1035, %sub3A_1036 : i32
      %swap3A_1038 = arith.index_cast %sub3A_1037 : i32 to index
      %swap3A_1039 = arith.constant 112 : index
      %swap3A_1040 = tpu.vector_load %arg7[%swap3A_1038, %swap3A_1039] {strides = array<i32>} : memref<512x128xf32, #tpu.memory_space<vmem>>, vector<16xf32>,
      tpu.vector_store %arg7[%swap3A_1038, %swap3A_1039], %get3A_927 {strides = array<i32>} : memref<512x128xf32, #tpu.memory_space<vmem>>, vector<16xf32>,
      %add3A_1041 = arith.constant 0 : i32
      %add3A_1042 = arith.addi %mul3A_254, %add3A_1041 : i32
      %get3A_1043 = arith.index_cast %add3A_1042 : i32 to index
      %get3A_1044 = tpu.vector_load %arg6[%get3A_1043] {strides = array<i32>} : memref<1280xf32, #tpu.memory_space<vmem>>, vector<16xf32>,
      %mul3A_1045 = arith.constant 16 : i32
      %mul3A_1046 = arith.muli %scan3A_217, %mul3A_1045 : i32
      %add3A_1047 = arith.constant 8 : i32
      %add3A_1048 = arith.addi %mul3A_1046, %add3A_1047 : i32
      %sub3A_1049 = arith.constant 1 : i32
      %sub3A_1050 = arith.subi %add3A_1048, %sub3A_1049 : i32
      %swap3A_1051 = arith.index_cast %sub3A_1050 : i32 to index
      %swap3A_1052 = arith.constant 0 : index
      %swap3A_1053 = tpu.vector_load %arg7[%swap3A_1051, %swap3A_1052] {strides = array<i32>} : memref<512x128xf32, #tpu.memory_space<vmem>>, vector<16xf32>,
      tpu.vector_store %arg7[%swap3A_1051, %swap3A_1052], %get3A_940 {strides = array<i32>} : memref<512x128xf32, #tpu.memory_space<vmem>>, vector<16xf32>,
      %add3A_1054 = arith.constant 16 : i32
      %add3A_1055 = arith.addi %mul3A_254, %add3A_1054 : i32
      %get3A_1056 = arith.index_cast %add3A_1055 : i32 to index
      %get3A_1057 = tpu.vector_load %arg6[%get3A_1056] {strides = array<i32>} : memref<1280xf32, #tpu.memory_space<vmem>>, vector<16xf32>,
      %mul3A_1058 = arith.constant 16 : i32
      %mul3A_1059 = arith.muli %scan3A_217, %mul3A_1058 : i32
      %add3A_1060 = arith.constant 8 : i32
      %add3A_1061 = arith.addi %mul3A_1059, %add3A_1060 : i32
      %sub3A_1062 = arith.constant 1 : i32
      %sub3A_1063 = arith.subi %add3A_1061, %sub3A_1062 : i32
      %swap3A_1064 = arith.index_cast %sub3A_1063 : i32 to index
      %swap3A_1065 = arith.constant 16 : index
      %swap3A_1066 = tpu.vector_load %arg7[%swap3A_1064, %swap3A_1065] {strides = array<i32>} : memref<512x128xf32, #tpu.memory_space<vmem>>, vector<16xf32>,
      tpu.vector_store %arg7[%swap3A_1064, %swap3A_1065], %get3A_953 {strides = array<i32>} : memref<512x128xf32, #tpu.memory_space<vmem>>, vector<16xf32>,
      %add3A_1067 = arith.constant 32 : i32
      %add3A_1068 = arith.addi %mul3A_254, %add3A_1067 : i32
      %get3A_1069 = arith.index_cast %add3A_1068 : i32 to index
      %get3A_1070 = tpu.vector_load %arg6[%get3A_1069] {strides = array<i32>} : memref<1280xf32, #tpu.memory_space<vmem>>, vector<16xf32>,
      %mul3A_1071 = arith.constant 16 : i32
      %mul3A_1072 = arith.muli %scan3A_217, %mul3A_1071 : i32
      %add3A_1073 = arith.constant 8 : i32
      %add3A_1074 = arith.addi %mul3A_1072, %add3A_1073 : i32
      %sub3A_1075 = arith.constant 1 : i32
      %sub3A_1076 = arith.subi %add3A_1074, %sub3A_1075 : i32
      %swap3A_1077 = arith.index_cast %sub3A_1076 : i32 to index
      %swap3A_1078 = arith.constant 32 : index
      %swap3A_1079 = tpu.vector_load %arg7[%swap3A_1077, %swap3A_1078] {strides = array<i32>} : memref<512x128xf32, #tpu.memory_space<vmem>>, vector<16xf32>,
      tpu.vector_store %arg7[%swap3A_1077, %swap3A_1078], %get3A_966 {strides = array<i32>} : memref<512x128xf32, #tpu.memory_space<vmem>>, vector<16xf32>,
      %add3A_1080 = arith.constant 48 : i32
      %add3A_1081 = arith.addi %mul3A_254, %add3A_1080 : i32
      %get3A_1082 = arith.index_cast %add3A_1081 : i32 to index
      %get3A_1083 = tpu.vector_load %arg6[%get3A_1082] {strides = array<i32>} : memref<1280xf32, #tpu.memory_space<vmem>>, vector<16xf32>,
      %mul3A_1084 = arith.constant 16 : i32
      %mul3A_1085 = arith.muli %scan3A_217, %mul3A_1084 : i32
      %add3A_1086 = arith.constant 8 : i32
      %add3A_1087 = arith.addi %mul3A_1085, %add3A_1086 : i32
      %sub3A_1088 = arith.constant 1 : i32
      %sub3A_1089 = arith.subi %add3A_1087, %sub3A_1088 : i32
      %swap3A_1090 = arith.index_cast %sub3A_1089 : i32 to index
      %swap3A_1091 = arith.constant 48 : index
      %swap3A_1092 = tpu.vector_load %arg7[%swap3A_1090, %swap3A_1091] {strides = array<i32>} : memref<512x128xf32, #tpu.memory_space<vmem>>, vector<16xf32>,
      tpu.vector_store %arg7[%swap3A_1090, %swap3A_1091], %get3A_979 {strides = array<i32>} : memref<512x128xf32, #tpu.memory_space<vmem>>, vector<16xf32>,
      %add3A_1093 = arith.constant 64 : i32
      %add3A_1094 = arith.addi %mul3A_254, %add3A_1093 : i32
      %get3A_1095 = arith.index_cast %add3A_1094 : i32 to index
      %get3A_1096 = tpu.vector_load %arg6[%get3A_1095] {strides = array<i32>} : memref<1280xf32, #tpu.memory_space<vmem>>, vector<16xf32>,
      %mul3A_1097 = arith.constant 16 : i32
      %mul3A_1098 = arith.muli %scan3A_217, %mul3A_1097 : i32
      %add3A_1099 = arith.constant 8 : i32
      %add3A_1100 = arith.addi %mul3A_1098, %add3A_1099 : i32
      %sub3A_1101 = arith.constant 1 : i32
      %sub3A_1102 = arith.subi %add3A_1100, %sub3A_1101 : i32
      %swap3A_1103 = arith.index_cast %sub3A_1102 : i32 to index
      %swap3A_1104 = arith.constant 64 : index
      %swap3A_1105 = tpu.vector_load %arg7[%swap3A_1103, %swap3A_1104] {strides = array<i32>} : memref<512x128xf32, #tpu.memory_space<vmem>>, vector<16xf32>,
      tpu.vector_store %arg7[%swap3A_1103, %swap3A_1104], %get3A_992 {strides = array<i32>} : memref<512x128xf32, #tpu.memory_space<vmem>>, vector<16xf32>,
      %add3A_1106 = arith.constant 80 : i32
      %add3A_1107 = arith.addi %mul3A_254, %add3A_1106 : i32
      %get3A_1108 = arith.index_cast %add3A_1107 : i32 to index
      %get3A_1109 = tpu.vector_load %arg6[%get3A_1108] {strides = array<i32>} : memref<1280xf32, #tpu.memory_space<vmem>>, vector<16xf32>,
      %mul3A_1110 = arith.constant 16 : i32
      %mul3A_1111 = arith.muli %scan3A_217, %mul3A_1110 : i32
      %add3A_1112 = arith.constant 8 : i32
      %add3A_1113 = arith.addi %mul3A_1111, %add3A_1112 : i32
      %sub3A_1114 = arith.constant 1 : i32
      %sub3A_1115 = arith.subi %add3A_1113, %sub3A_1114 : i32
      %swap3A_1116 = arith.index_cast %sub3A_1115 : i32 to index
      %swap3A_1117 = arith.constant 80 : index
      %swap3A_1118 = tpu.vector_load %arg7[%swap3A_1116, %swap3A_1117] {strides = array<i32>} : memref<512x128xf32, #tpu.memory_space<vmem>>, vector<16xf32>,
      tpu.vector_store %arg7[%swap3A_1116, %swap3A_1117], %get3A_1005 {strides = array<i32>} : memref<512x128xf32, #tpu.memory_space<vmem>>, vector<16xf32>,
      %add3A_1119 = arith.constant 96 : i32
      %add3A_1120 = arith.addi %mul3A_254, %add3A_1119 : i32
      %get3A_1121 = arith.index_cast %add3A_1120 : i32 to index
      %get3A_1122 = tpu.vector_load %arg6[%get3A_1121] {strides = array<i32>} : memref<1280xf32, #tpu.memory_space<vmem>>, vector<16xf32>,
      %mul3A_1123 = arith.constant 16 : i32
      %mul3A_1124 = arith.muli %scan3A_217, %mul3A_1123 : i32
      %add3A_1125 = arith.constant 8 : i32
      %add3A_1126 = arith.addi %mul3A_1124, %add3A_1125 : i32
      %sub3A_1127 = arith.constant 1 : i32
      %sub3A_1128 = arith.subi %add3A_1126, %sub3A_1127 : i32
      %swap3A_1129 = arith.index_cast %sub3A_1128 : i32 to index
      %swap3A_1130 = arith.constant 96 : index
      %swap3A_1131 = tpu.vector_load %arg7[%swap3A_1129, %swap3A_1130] {strides = array<i32>} : memref<512x128xf32, #tpu.memory_space<vmem>>, vector<16xf32>,
      tpu.vector_store %arg7[%swap3A_1129, %swap3A_1130], %get3A_1018 {strides = array<i32>} : memref<512x128xf32, #tpu.memory_space<vmem>>, vector<16xf32>,
      %add3A_1132 = arith.constant 112 : i32
      %add3A_1133 = arith.addi %mul3A_254, %add3A_1132 : i32
      %get3A_1134 = arith.index_cast %add3A_1133 : i32 to index
      %get3A_1135 = tpu.vector_load %arg6[%get3A_1134] {strides = array<i32>} : memref<1280xf32, #tpu.memory_space<vmem>>, vector<16xf32>,
      %mul3A_1136 = arith.constant 16 : i32
      %mul3A_1137 = arith.muli %scan3A_217, %mul3A_1136 : i32
      %add3A_1138 = arith.constant 8 : i32
      %add3A_1139 = arith.addi %mul3A_1137, %add3A_1138 : i32
      %sub3A_1140 = arith.constant 1 : i32
      %sub3A_1141 = arith.subi %add3A_1139, %sub3A_1140 : i32
      %swap3A_1142 = arith.index_cast %sub3A_1141 : i32 to index
      %swap3A_1143 = arith.constant 112 : index
      %swap3A_1144 = tpu.vector_load %arg7[%swap3A_1142, %swap3A_1143] {strides = array<i32>} : memref<512x128xf32, #tpu.memory_space<vmem>>, vector<16xf32>,
      tpu.vector_store %arg7[%swap3A_1142, %swap3A_1143], %get3A_1031 {strides = array<i32>} : memref<512x128xf32, #tpu.memory_space<vmem>>, vector<16xf32>,
      %add3A_1145 = arith.constant 0 : i32
      %add3A_1146 = arith.addi %mul3A_258, %add3A_1145 : i32
      %get3A_1147 = arith.index_cast %add3A_1146 : i32 to index
      %get3A_1148 = tpu.vector_load %arg6[%get3A_1147] {strides = array<i32>} : memref<1280xf32, #tpu.memory_space<vmem>>, vector<16xf32>,
      %mul3A_1149 = arith.constant 16 : i32
      %mul3A_1150 = arith.muli %scan3A_217, %mul3A_1149 : i32
      %add3A_1151 = arith.constant 9 : i32
      %add3A_1152 = arith.addi %mul3A_1150, %add3A_1151 : i32
      %sub3A_1153 = arith.constant 1 : i32
      %sub3A_1154 = arith.subi %add3A_1152, %sub3A_1153 : i32
      %swap3A_1155 = arith.index_cast %sub3A_1154 : i32 to index
      %swap3A_1156 = arith.constant 0 : index
      %swap3A_1157 = tpu.vector_load %arg7[%swap3A_1155, %swap3A_1156] {strides = array<i32>} : memref<512x128xf32, #tpu.memory_space<vmem>>, vector<16xf32>,
      tpu.vector_store %arg7[%swap3A_1155, %swap3A_1156], %get3A_1044 {strides = array<i32>} : memref<512x128xf32, #tpu.memory_space<vmem>>, vector<16xf32>,
      %add3A_1158 = arith.constant 16 : i32
      %add3A_1159 = arith.addi %mul3A_258, %add3A_1158 : i32
      %get3A_1160 = arith.index_cast %add3A_1159 : i32 to index
      %get3A_1161 = tpu.vector_load %arg6[%get3A_1160] {strides = array<i32>} : memref<1280xf32, #tpu.memory_space<vmem>>, vector<16xf32>,
      %mul3A_1162 = arith.constant 16 : i32
      %mul3A_1163 = arith.muli %scan3A_217, %mul3A_1162 : i32
      %add3A_1164 = arith.constant 9 : i32
      %add3A_1165 = arith.addi %mul3A_1163, %add3A_1164 : i32
      %sub3A_1166 = arith.constant 1 : i32
      %sub3A_1167 = arith.subi %add3A_1165, %sub3A_1166 : i32
      %swap3A_1168 = arith.index_cast %sub3A_1167 : i32 to index
      %swap3A_1169 = arith.constant 16 : index
      %swap3A_1170 = tpu.vector_load %arg7[%swap3A_1168, %swap3A_1169] {strides = array<i32>} : memref<512x128xf32, #tpu.memory_space<vmem>>, vector<16xf32>,
      tpu.vector_store %arg7[%swap3A_1168, %swap3A_1169], %get3A_1057 {strides = array<i32>} : memref<512x128xf32, #tpu.memory_space<vmem>>, vector<16xf32>,
      %add3A_1171 = arith.constant 32 : i32
      %add3A_1172 = arith.addi %mul3A_258, %add3A_1171 : i32
      %get3A_1173 = arith.index_cast %add3A_1172 : i32 to index
      %get3A_1174 = tpu.vector_load %arg6[%get3A_1173] {strides = array<i32>} : memref<1280xf32, #tpu.memory_space<vmem>>, vector<16xf32>,
      %mul3A_1175 = arith.constant 16 : i32
      %mul3A_1176 = arith.muli %scan3A_217, %mul3A_1175 : i32
      %add3A_1177 = arith.constant 9 : i32
      %add3A_1178 = arith.addi %mul3A_1176, %add3A_1177 : i32
      %sub3A_1179 = arith.constant 1 : i32
      %sub3A_1180 = arith.subi %add3A_1178, %sub3A_1179 : i32
      %swap3A_1181 = arith.index_cast %sub3A_1180 : i32 to index
      %swap3A_1182 = arith.constant 32 : index
      %swap3A_1183 = tpu.vector_load %arg7[%swap3A_1181, %swap3A_1182] {strides = array<i32>} : memref<512x128xf32, #tpu.memory_space<vmem>>, vector<16xf32>,
      tpu.vector_store %arg7[%swap3A_1181, %swap3A_1182], %get3A_1070 {strides = array<i32>} : memref<512x128xf32, #tpu.memory_space<vmem>>, vector<16xf32>,
      %add3A_1184 = arith.constant 48 : i32
      %add3A_1185 = arith.addi %mul3A_258, %add3A_1184 : i32
      %get3A_1186 = arith.index_cast %add3A_1185 : i32 to index
      %get3A_1187 = tpu.vector_load %arg6[%get3A_1186] {strides = array<i32>} : memref<1280xf32, #tpu.memory_space<vmem>>, vector<16xf32>,
      %mul3A_1188 = arith.constant 16 : i32
      %mul3A_1189 = arith.muli %scan3A_217, %mul3A_1188 : i32
      %add3A_1190 = arith.constant 9 : i32
      %add3A_1191 = arith.addi %mul3A_1189, %add3A_1190 : i32
      %sub3A_1192 = arith.constant 1 : i32
      %sub3A_1193 = arith.subi %add3A_1191, %sub3A_1192 : i32
      %swap3A_1194 = arith.index_cast %sub3A_1193 : i32 to index
      %swap3A_1195 = arith.constant 48 : index
      %swap3A_1196 = tpu.vector_load %arg7[%swap3A_1194, %swap3A_1195] {strides = array<i32>} : memref<512x128xf32, #tpu.memory_space<vmem>>, vector<16xf32>,
      tpu.vector_store %arg7[%swap3A_1194, %swap3A_1195], %get3A_1083 {strides = array<i32>} : memref<512x128xf32, #tpu.memory_space<vmem>>, vector<16xf32>,
      %add3A_1197 = arith.constant 64 : i32
      %add3A_1198 = arith.addi %mul3A_258, %add3A_1197 : i32
      %get3A_1199 = arith.index_cast %add3A_1198 : i32 to index
      %get3A_1200 = tpu.vector_load %arg6[%get3A_1199] {strides = array<i32>} : memref<1280xf32, #tpu.memory_space<vmem>>, vector<16xf32>,
      %mul3A_1201 = arith.constant 16 : i32
      %mul3A_1202 = arith.muli %scan3A_217, %mul3A_1201 : i32
      %add3A_1203 = arith.constant 9 : i32
      %add3A_1204 = arith.addi %mul3A_1202, %add3A_1203 : i32
      %sub3A_1205 = arith.constant 1 : i32
      %sub3A_1206 = arith.subi %add3A_1204, %sub3A_1205 : i32
      %swap3A_1207 = arith.index_cast %sub3A_1206 : i32 to index
      %swap3A_1208 = arith.constant 64 : index
      %swap3A_1209 = tpu.vector_load %arg7[%swap3A_1207, %swap3A_1208] {strides = array<i32>} : memref<512x128xf32, #tpu.memory_space<vmem>>, vector<16xf32>,
      tpu.vector_store %arg7[%swap3A_1207, %swap3A_1208], %get3A_1096 {strides = array<i32>} : memref<512x128xf32, #tpu.memory_space<vmem>>, vector<16xf32>,
      %add3A_1210 = arith.constant 80 : i32
      %add3A_1211 = arith.addi %mul3A_258, %add3A_1210 : i32
      %get3A_1212 = arith.index_cast %add3A_1211 : i32 to index
      %get3A_1213 = tpu.vector_load %arg6[%get3A_1212] {strides = array<i32>} : memref<1280xf32, #tpu.memory_space<vmem>>, vector<16xf32>,
      %mul3A_1214 = arith.constant 16 : i32
      %mul3A_1215 = arith.muli %scan3A_217, %mul3A_1214 : i32
      %add3A_1216 = arith.constant 9 : i32
      %add3A_1217 = arith.addi %mul3A_1215, %add3A_1216 : i32
      %sub3A_1218 = arith.constant 1 : i32
      %sub3A_1219 = arith.subi %add3A_1217, %sub3A_1218 : i32
      %swap3A_1220 = arith.index_cast %sub3A_1219 : i32 to index
      %swap3A_1221 = arith.constant 80 : index
      %swap3A_1222 = tpu.vector_load %arg7[%swap3A_1220, %swap3A_1221] {strides = array<i32>} : memref<512x128xf32, #tpu.memory_space<vmem>>, vector<16xf32>,
      tpu.vector_store %arg7[%swap3A_1220, %swap3A_1221], %get3A_1109 {strides = array<i32>} : memref<512x128xf32, #tpu.memory_space<vmem>>, vector<16xf32>,
      %add3A_1223 = arith.constant 96 : i32
      %add3A_1224 = arith.addi %mul3A_258, %add3A_1223 : i32
      %get3A_1225 = arith.index_cast %add3A_1224 : i32 to index
      %get3A_1226 = tpu.vector_load %arg6[%get3A_1225] {strides = array<i32>} : memref<1280xf32, #tpu.memory_space<vmem>>, vector<16xf32>,
      %mul3A_1227 = arith.constant 16 : i32
      %mul3A_1228 = arith.muli %scan3A_217, %mul3A_1227 : i32
      %add3A_1229 = arith.constant 9 : i32
      %add3A_1230 = arith.addi %mul3A_1228, %add3A_1229 : i32
      %sub3A_1231 = arith.constant 1 : i32
      %sub3A_1232 = arith.subi %add3A_1230, %sub3A_1231 : i32
      %swap3A_1233 = arith.index_cast %sub3A_1232 : i32 to index
      %swap3A_1234 = arith.constant 96 : index
      %swap3A_1235 = tpu.vector_load %arg7[%swap3A_1233, %swap3A_1234] {strides = array<i32>} : memref<512x128xf32, #tpu.memory_space<vmem>>, vector<16xf32>,
      tpu.vector_store %arg7[%swap3A_1233, %swap3A_1234], %get3A_1122 {strides = array<i32>} : memref<512x128xf32, #tpu.memory_space<vmem>>, vector<16xf32>,
      %add3A_1236 = arith.constant 112 : i32
      %add3A_1237 = arith.addi %mul3A_258, %add3A_1236 : i32
      %get3A_1238 = arith.index_cast %add3A_1237 : i32 to index
      %get3A_1239 = tpu.vector_load %arg6[%get3A_1238] {strides = array<i32>} : memref<1280xf32, #tpu.memory_space<vmem>>, vector<16xf32>,
      %mul3A_1240 = arith.constant 16 : i32
      %mul3A_1241 = arith.muli %scan3A_217, %mul3A_1240 : i32
      %add3A_1242 = arith.constant 9 : i32
      %add3A_1243 = arith.addi %mul3A_1241, %add3A_1242 : i32
      %sub3A_1244 = arith.constant 1 : i32
      %sub3A_1245 = arith.subi %add3A_1243, %sub3A_1244 : i32
      %swap3A_1246 = arith.index_cast %sub3A_1245 : i32 to index
      %swap3A_1247 = arith.constant 112 : index
      %swap3A_1248 = tpu.vector_load %arg7[%swap3A_1246, %swap3A_1247] {strides = array<i32>} : memref<512x128xf32, #tpu.memory_space<vmem>>, vector<16xf32>,
      tpu.vector_store %arg7[%swap3A_1246, %swap3A_1247], %get3A_1135 {strides = array<i32>} : memref<512x128xf32, #tpu.memory_space<vmem>>, vector<16xf32>,
      %add3A_1249 = arith.constant 0 : i32
      %add3A_1250 = arith.addi %mul3A_262, %add3A_1249 : i32
      %get3A_1251 = arith.index_cast %add3A_1250 : i32 to index
      %get3A_1252 = tpu.vector_load %arg6[%get3A_1251] {strides = array<i32>} : memref<1280xf32, #tpu.memory_space<vmem>>, vector<16xf32>,
      %mul3A_1253 = arith.constant 16 : i32
      %mul3A_1254 = arith.muli %scan3A_217, %mul3A_1253 : i32
      %add3A_1255 = arith.constant 10 : i32
      %add3A_1256 = arith.addi %mul3A_1254, %add3A_1255 : i32
      %sub3A_1257 = arith.constant 1 : i32
      %sub3A_1258 = arith.subi %add3A_1256, %sub3A_1257 : i32
      %swap3A_1259 = arith.index_cast %sub3A_1258 : i32 to index
      %swap3A_1260 = arith.constant 0 : index
      %swap3A_1261 = tpu.vector_load %arg7[%swap3A_1259, %swap3A_1260] {strides = array<i32>} : memref<512x128xf32, #tpu.memory_space<vmem>>, vector<16xf32>,
      tpu.vector_store %arg7[%swap3A_1259, %swap3A_1260], %get3A_1148 {strides = array<i32>} : memref<512x128xf32, #tpu.memory_space<vmem>>, vector<16xf32>,
      %add3A_1262 = arith.constant 16 : i32
      %add3A_1263 = arith.addi %mul3A_262, %add3A_1262 : i32
      %get3A_1264 = arith.index_cast %add3A_1263 : i32 to index
      %get3A_1265 = tpu.vector_load %arg6[%get3A_1264] {strides = array<i32>} : memref<1280xf32, #tpu.memory_space<vmem>>, vector<16xf32>,
      %mul3A_1266 = arith.constant 16 : i32
      %mul3A_1267 = arith.muli %scan3A_217, %mul3A_1266 : i32
      %add3A_1268 = arith.constant 10 : i32
      %add3A_1269 = arith.addi %mul3A_1267, %add3A_1268 : i32
      %sub3A_1270 = arith.constant 1 : i32
      %sub3A_1271 = arith.subi %add3A_1269, %sub3A_1270 : i32
      %swap3A_1272 = arith.index_cast %sub3A_1271 : i32 to index
      %swap3A_1273 = arith.constant 16 : index
      %swap3A_1274 = tpu.vector_load %arg7[%swap3A_1272, %swap3A_1273] {strides = array<i32>} : memref<512x128xf32, #tpu.memory_space<vmem>>, vector<16xf32>,
      tpu.vector_store %arg7[%swap3A_1272, %swap3A_1273], %get3A_1161 {strides = array<i32>} : memref<512x128xf32, #tpu.memory_space<vmem>>, vector<16xf32>,
      %add3A_1275 = arith.constant 32 : i32
      %add3A_1276 = arith.addi %mul3A_262, %add3A_1275 : i32
      %get3A_1277 = arith.index_cast %add3A_1276 : i32 to index
      %get3A_1278 = tpu.vector_load %arg6[%get3A_1277] {strides = array<i32>} : memref<1280xf32, #tpu.memory_space<vmem>>, vector<16xf32>,
      %mul3A_1279 = arith.constant 16 : i32
      %mul3A_1280 = arith.muli %scan3A_217, %mul3A_1279 : i32
      %add3A_1281 = arith.constant 10 : i32
      %add3A_1282 = arith.addi %mul3A_1280, %add3A_1281 : i32
      %sub3A_1283 = arith.constant 1 : i32
      %sub3A_1284 = arith.subi %add3A_1282, %sub3A_1283 : i32
      %swap3A_1285 = arith.index_cast %sub3A_1284 : i32 to index
      %swap3A_1286 = arith.constant 32 : index
      %swap3A_1287 = tpu.vector_load %arg7[%swap3A_1285, %swap3A_1286] {strides = array<i32>} : memref<512x128xf32, #tpu.memory_space<vmem>>, vector<16xf32>,
      tpu.vector_store %arg7[%swap3A_1285, %swap3A_1286], %get3A_1174 {strides = array<i32>} : memref<512x128xf32, #tpu.memory_space<vmem>>, vector<16xf32>,
      %add3A_1288 = arith.constant 48 : i32
      %add3A_1289 = arith.addi %mul3A_262, %add3A_1288 : i32
      %get3A_1290 = arith.index_cast %add3A_1289 : i32 to index
      %get3A_1291 = tpu.vector_load %arg6[%get3A_1290] {strides = array<i32>} : memref<1280xf32, #tpu.memory_space<vmem>>, vector<16xf32>,
      %mul3A_1292 = arith.constant 16 : i32
      %mul3A_1293 = arith.muli %scan3A_217, %mul3A_1292 : i32
      %add3A_1294 = arith.constant 10 : i32
      %add3A_1295 = arith.addi %mul3A_1293, %add3A_1294 : i32
      %sub3A_1296 = arith.constant 1 : i32
      %sub3A_1297 = arith.subi %add3A_1295, %sub3A_1296 : i32
      %swap3A_1298 = arith.index_cast %sub3A_1297 : i32 to index
      %swap3A_1299 = arith.constant 48 : index
      %swap3A_1300 = tpu.vector_load %arg7[%swap3A_1298, %swap3A_1299] {strides = array<i32>} : memref<512x128xf32, #tpu.memory_space<vmem>>, vector<16xf32>,
      tpu.vector_store %arg7[%swap3A_1298, %swap3A_1299], %get3A_1187 {strides = array<i32>} : memref<512x128xf32, #tpu.memory_space<vmem>>, vector<16xf32>,
      %add3A_1301 = arith.constant 64 : i32
      %add3A_1302 = arith.addi %mul3A_262, %add3A_1301 : i32
      %get3A_1303 = arith.index_cast %add3A_1302 : i32 to index
      %get3A_1304 = tpu.vector_load %arg6[%get3A_1303] {strides = array<i32>} : memref<1280xf32, #tpu.memory_space<vmem>>, vector<16xf32>,
      %mul3A_1305 = arith.constant 16 : i32
      %mul3A_1306 = arith.muli %scan3A_217, %mul3A_1305 : i32
      %add3A_1307 = arith.constant 10 : i32
      %add3A_1308 = arith.addi %mul3A_1306, %add3A_1307 : i32
      %sub3A_1309 = arith.constant 1 : i32
      %sub3A_1310 = arith.subi %add3A_1308, %sub3A_1309 : i32
      %swap3A_1311 = arith.index_cast %sub3A_1310 : i32 to index
      %swap3A_1312 = arith.constant 64 : index
      %swap3A_1313 = tpu.vector_load %arg7[%swap3A_1311, %swap3A_1312] {strides = array<i32>} : memref<512x128xf32, #tpu.memory_space<vmem>>, vector<16xf32>,
      tpu.vector_store %arg7[%swap3A_1311, %swap3A_1312], %get3A_1200 {strides = array<i32>} : memref<512x128xf32, #tpu.memory_space<vmem>>, vector<16xf32>,
      %add3A_1314 = arith.constant 80 : i32
      %add3A_1315 = arith.addi %mul3A_262, %add3A_1314 : i32
      %get3A_1316 = arith.index_cast %add3A_1315 : i32 to index
      %get3A_1317 = tpu.vector_load %arg6[%get3A_1316] {strides = array<i32>} : memref<1280xf32, #tpu.memory_space<vmem>>, vector<16xf32>,
      %mul3A_1318 = arith.constant 16 : i32
      %mul3A_1319 = arith.muli %scan3A_217, %mul3A_1318 : i32
      %add3A_1320 = arith.constant 10 : i32
      %add3A_1321 = arith.addi %mul3A_1319, %add3A_1320 : i32
      %sub3A_1322 = arith.constant 1 : i32
      %sub3A_1323 = arith.subi %add3A_1321, %sub3A_1322 : i32
      %swap3A_1324 = arith.index_cast %sub3A_1323 : i32 to index
      %swap3A_1325 = arith.constant 80 : index
      %swap3A_1326 = tpu.vector_load %arg7[%swap3A_1324, %swap3A_1325] {strides = array<i32>} : memref<512x128xf32, #tpu.memory_space<vmem>>, vector<16xf32>,
      tpu.vector_store %arg7[%swap3A_1324, %swap3A_1325], %get3A_1213 {strides = array<i32>} : memref<512x128xf32, #tpu.memory_space<vmem>>, vector<16xf32>,
      %add3A_1327 = arith.constant 96 : i32
      %add3A_1328 = arith.addi %mul3A_262, %add3A_1327 : i32
      %get3A_1329 = arith.index_cast %add3A_1328 : i32 to index
      %get3A_1330 = tpu.vector_load %arg6[%get3A_1329] {strides = array<i32>} : memref<1280xf32, #tpu.memory_space<vmem>>, vector<16xf32>,
      %mul3A_1331 = arith.constant 16 : i32
      %mul3A_1332 = arith.muli %scan3A_217, %mul3A_1331 : i32
      %add3A_1333 = arith.constant 10 : i32
      %add3A_1334 = arith.addi %mul3A_1332, %add3A_1333 : i32
      %sub3A_1335 = arith.constant 1 : i32
      %sub3A_1336 = arith.subi %add3A_1334, %sub3A_1335 : i32
      %swap3A_1337 = arith.index_cast %sub3A_1336 : i32 to index
      %swap3A_1338 = arith.constant 96 : index
      %swap3A_1339 = tpu.vector_load %arg7[%swap3A_1337, %swap3A_1338] {strides = array<i32>} : memref<512x128xf32, #tpu.memory_space<vmem>>, vector<16xf32>,
      tpu.vector_store %arg7[%swap3A_1337, %swap3A_1338], %get3A_1226 {strides = array<i32>} : memref<512x128xf32, #tpu.memory_space<vmem>>, vector<16xf32>,
      %add3A_1340 = arith.constant 112 : i32
      %add3A_1341 = arith.addi %mul3A_262, %add3A_1340 : i32
      %get3A_1342 = arith.index_cast %add3A_1341 : i32 to index
      %get3A_1343 = tpu.vector_load %arg6[%get3A_1342] {strides = array<i32>} : memref<1280xf32, #tpu.memory_space<vmem>>, vector<16xf32>,
      %mul3A_1344 = arith.constant 16 : i32
      %mul3A_1345 = arith.muli %scan3A_217, %mul3A_1344 : i32
      %add3A_1346 = arith.constant 10 : i32
      %add3A_1347 = arith.addi %mul3A_1345, %add3A_1346 : i32
      %sub3A_1348 = arith.constant 1 : i32
      %sub3A_1349 = arith.subi %add3A_1347, %sub3A_1348 : i32
      %swap3A_1350 = arith.index_cast %sub3A_1349 : i32 to index
      %swap3A_1351 = arith.constant 112 : index
      %swap3A_1352 = tpu.vector_load %arg7[%swap3A_1350, %swap3A_1351] {strides = array<i32>} : memref<512x128xf32, #tpu.memory_space<vmem>>, vector<16xf32>,
      tpu.vector_store %arg7[%swap3A_1350, %swap3A_1351], %get3A_1239 {strides = array<i32>} : memref<512x128xf32, #tpu.memory_space<vmem>>, vector<16xf32>,
      %add3A_1353 = arith.constant 0 : i32
      %add3A_1354 = arith.addi %mul3A_266, %add3A_1353 : i32
      %get3A_1355 = arith.index_cast %add3A_1354 : i32 to index
      %get3A_1356 = tpu.vector_load %arg6[%get3A_1355] {strides = array<i32>} : memref<1280xf32, #tpu.memory_space<vmem>>, vector<16xf32>,
      %mul3A_1357 = arith.constant 16 : i32
      %mul3A_1358 = arith.muli %scan3A_217, %mul3A_1357 : i32
      %add3A_1359 = arith.constant 11 : i32
      %add3A_1360 = arith.addi %mul3A_1358, %add3A_1359 : i32
      %sub3A_1361 = arith.constant 1 : i32
      %sub3A_1362 = arith.subi %add3A_1360, %sub3A_1361 : i32
      %swap3A_1363 = arith.index_cast %sub3A_1362 : i32 to index
      %swap3A_1364 = arith.constant 0 : index
      %swap3A_1365 = tpu.vector_load %arg7[%swap3A_1363, %swap3A_1364] {strides = array<i32>} : memref<512x128xf32, #tpu.memory_space<vmem>>, vector<16xf32>,
      tpu.vector_store %arg7[%swap3A_1363, %swap3A_1364], %get3A_1252 {strides = array<i32>} : memref<512x128xf32, #tpu.memory_space<vmem>>, vector<16xf32>,
      %add3A_1366 = arith.constant 16 : i32
      %add3A_1367 = arith.addi %mul3A_266, %add3A_1366 : i32
      %get3A_1368 = arith.index_cast %add3A_1367 : i32 to index
      %get3A_1369 = tpu.vector_load %arg6[%get3A_1368] {strides = array<i32>} : memref<1280xf32, #tpu.memory_space<vmem>>, vector<16xf32>,
      %mul3A_1370 = arith.constant 16 : i32
      %mul3A_1371 = arith.muli %scan3A_217, %mul3A_1370 : i32
      %add3A_1372 = arith.constant 11 : i32
      %add3A_1373 = arith.addi %mul3A_1371, %add3A_1372 : i32
      %sub3A_1374 = arith.constant 1 : i32
      %sub3A_1375 = arith.subi %add3A_1373, %sub3A_1374 : i32
      %swap3A_1376 = arith.index_cast %sub3A_1375 : i32 to index
      %swap3A_1377 = arith.constant 16 : index
      %swap3A_1378 = tpu.vector_load %arg7[%swap3A_1376, %swap3A_1377] {strides = array<i32>} : memref<512x128xf32, #tpu.memory_space<vmem>>, vector<16xf32>,
      tpu.vector_store %arg7[%swap3A_1376, %swap3A_1377], %get3A_1265 {strides = array<i32>} : memref<512x128xf32, #tpu.memory_space<vmem>>, vector<16xf32>,
      %add3A_1379 = arith.constant 32 : i32
      %add3A_1380 = arith.addi %mul3A_266, %add3A_1379 : i32
      %get3A_1381 = arith.index_cast %add3A_1380 : i32 to index
      %get3A_1382 = tpu.vector_load %arg6[%get3A_1381] {strides = array<i32>} : memref<1280xf32, #tpu.memory_space<vmem>>, vector<16xf32>,
      %mul3A_1383 = arith.constant 16 : i32
      %mul3A_1384 = arith.muli %scan3A_217, %mul3A_1383 : i32
      %add3A_1385 = arith.constant 11 : i32
      %add3A_1386 = arith.addi %mul3A_1384, %add3A_1385 : i32
      %sub3A_1387 = arith.constant 1 : i32
      %sub3A_1388 = arith.subi %add3A_1386, %sub3A_1387 : i32
      %swap3A_1389 = arith.index_cast %sub3A_1388 : i32 to index
      %swap3A_1390 = arith.constant 32 : index
      %swap3A_1391 = tpu.vector_load %arg7[%swap3A_1389, %swap3A_1390] {strides = array<i32>} : memref<512x128xf32, #tpu.memory_space<vmem>>, vector<16xf32>,
      tpu.vector_store %arg7[%swap3A_1389, %swap3A_1390], %get3A_1278 {strides = array<i32>} : memref<512x128xf32, #tpu.memory_space<vmem>>, vector<16xf32>,
      %add3A_1392 = arith.constant 48 : i32
      %add3A_1393 = arith.addi %mul3A_266, %add3A_1392 : i32
      %get3A_1394 = arith.index_cast %add3A_1393 : i32 to index
      %get3A_1395 = tpu.vector_load %arg6[%get3A_1394] {strides = array<i32>} : memref<1280xf32, #tpu.memory_space<vmem>>, vector<16xf32>,
      %mul3A_1396 = arith.constant 16 : i32
      %mul3A_1397 = arith.muli %scan3A_217, %mul3A_1396 : i32
      %add3A_1398 = arith.constant 11 : i32
      %add3A_1399 = arith.addi %mul3A_1397, %add3A_1398 : i32
      %sub3A_1400 = arith.constant 1 : i32
      %sub3A_1401 = arith.subi %add3A_1399, %sub3A_1400 : i32
      %swap3A_1402 = arith.index_cast %sub3A_1401 : i32 to index
      %swap3A_1403 = arith.constant 48 : index
      %swap3A_1404 = tpu.vector_load %arg7[%swap3A_1402, %swap3A_1403] {strides = array<i32>} : memref<512x128xf32, #tpu.memory_space<vmem>>, vector<16xf32>,
      tpu.vector_store %arg7[%swap3A_1402, %swap3A_1403], %get3A_1291 {strides = array<i32>} : memref<512x128xf32, #tpu.memory_space<vmem>>, vector<16xf32>,
      %add3A_1405 = arith.constant 64 : i32
      %add3A_1406 = arith.addi %mul3A_266, %add3A_1405 : i32
      %get3A_1407 = arith.index_cast %add3A_1406 : i32 to index
      %get3A_1408 = tpu.vector_load %arg6[%get3A_1407] {strides = array<i32>} : memref<1280xf32, #tpu.memory_space<vmem>>, vector<16xf32>,
      %mul3A_1409 = arith.constant 16 : i32
      %mul3A_1410 = arith.muli %scan3A_217, %mul3A_1409 : i32
      %add3A_1411 = arith.constant 11 : i32
      %add3A_1412 = arith.addi %mul3A_1410, %add3A_1411 : i32
      %sub3A_1413 = arith.constant 1 : i32
      %sub3A_1414 = arith.subi %add3A_1412, %sub3A_1413 : i32
      %swap3A_1415 = arith.index_cast %sub3A_1414 : i32 to index
      %swap3A_1416 = arith.constant 64 : index
      %swap3A_1417 = tpu.vector_load %arg7[%swap3A_1415, %swap3A_1416] {strides = array<i32>} : memref<512x128xf32, #tpu.memory_space<vmem>>, vector<16xf32>,
      tpu.vector_store %arg7[%swap3A_1415, %swap3A_1416], %get3A_1304 {strides = array<i32>} : memref<512x128xf32, #tpu.memory_space<vmem>>, vector<16xf32>,
      %add3A_1418 = arith.constant 80 : i32
      %add3A_1419 = arith.addi %mul3A_266, %add3A_1418 : i32
      %get3A_1420 = arith.index_cast %add3A_1419 : i32 to index
      %get3A_1421 = tpu.vector_load %arg6[%get3A_1420] {strides = array<i32>} : memref<1280xf32, #tpu.memory_space<vmem>>, vector<16xf32>,
      %mul3A_1422 = arith.constant 16 : i32
      %mul3A_1423 = arith.muli %scan3A_217, %mul3A_1422 : i32
      %add3A_1424 = arith.constant 11 : i32
      %add3A_1425 = arith.addi %mul3A_1423, %add3A_1424 : i32
      %sub3A_1426 = arith.constant 1 : i32
      %sub3A_1427 = arith.subi %add3A_1425, %sub3A_1426 : i32
      %swap3A_1428 = arith.index_cast %sub3A_1427 : i32 to index
      %swap3A_1429 = arith.constant 80 : index
      %swap3A_1430 = tpu.vector_load %arg7[%swap3A_1428, %swap3A_1429] {strides = array<i32>} : memref<512x128xf32, #tpu.memory_space<vmem>>, vector<16xf32>,
      tpu.vector_store %arg7[%swap3A_1428, %swap3A_1429], %get3A_1317 {strides = array<i32>} : memref<512x128xf32, #tpu.memory_space<vmem>>, vector<16xf32>,
      %add3A_1431 = arith.constant 96 : i32
      %add3A_1432 = arith.addi %mul3A_266, %add3A_1431 : i32
      %get3A_1433 = arith.index_cast %add3A_1432 : i32 to index
      %get3A_1434 = tpu.vector_load %arg6[%get3A_1433] {strides = array<i32>} : memref<1280xf32, #tpu.memory_space<vmem>>, vector<16xf32>,
      %mul3A_1435 = arith.constant 16 : i32
      %mul3A_1436 = arith.muli %scan3A_217, %mul3A_1435 : i32
      %add3A_1437 = arith.constant 11 : i32
      %add3A_1438 = arith.addi %mul3A_1436, %add3A_1437 : i32
      %sub3A_1439 = arith.constant 1 : i32
      %sub3A_1440 = arith.subi %add3A_1438, %sub3A_1439 : i32
      %swap3A_1441 = arith.index_cast %sub3A_1440 : i32 to index
      %swap3A_1442 = arith.constant 96 : index
      %swap3A_1443 = tpu.vector_load %arg7[%swap3A_1441, %swap3A_1442] {strides = array<i32>} : memref<512x128xf32, #tpu.memory_space<vmem>>, vector<16xf32>,
      tpu.vector_store %arg7[%swap3A_1441, %swap3A_1442], %get3A_1330 {strides = array<i32>} : memref<512x128xf32, #tpu.memory_space<vmem>>, vector<16xf32>,
      %add3A_1444 = arith.constant 112 : i32
      %add3A_1445 = arith.addi %mul3A_266, %add3A_1444 : i32
      %get3A_1446 = arith.index_cast %add3A_1445 : i32 to index
      %get3A_1447 = tpu.vector_load %arg6[%get3A_1446] {strides = array<i32>} : memref<1280xf32, #tpu.memory_space<vmem>>, vector<16xf32>,
      %mul3A_1448 = arith.constant 16 : i32
      %mul3A_1449 = arith.muli %scan3A_217, %mul3A_1448 : i32
      %add3A_1450 = arith.constant 11 : i32
      %add3A_1451 = arith.addi %mul3A_1449, %add3A_1450 : i32
      %sub3A_1452 = arith.constant 1 : i32
      %sub3A_1453 = arith.subi %add3A_1451, %sub3A_1452 : i32
      %swap3A_1454 = arith.index_cast %sub3A_1453 : i32 to index
      %swap3A_1455 = arith.constant 112 : index
      %swap3A_1456 = tpu.vector_load %arg7[%swap3A_1454, %swap3A_1455] {strides = array<i32>} : memref<512x128xf32, #tpu.memory_space<vmem>>, vector<16xf32>,
      tpu.vector_store %arg7[%swap3A_1454, %swap3A_1455], %get3A_1343 {strides = array<i32>} : memref<512x128xf32, #tpu.memory_space<vmem>>, vector<16xf32>,
      %add3A_1457 = arith.constant 0 : i32
      %add3A_1458 = arith.addi %mul3A_270, %add3A_1457 : i32
      %get3A_1459 = arith.index_cast %add3A_1458 : i32 to index
      %get3A_1460 = tpu.vector_load %arg6[%get3A_1459] {strides = array<i32>} : memref<1280xf32, #tpu.memory_space<vmem>>, vector<16xf32>,
      %mul3A_1461 = arith.constant 16 : i32
      %mul3A_1462 = arith.muli %scan3A_217, %mul3A_1461 : i32
      %add3A_1463 = arith.constant 12 : i32
      %add3A_1464 = arith.addi %mul3A_1462, %add3A_1463 : i32
      %sub3A_1465 = arith.constant 1 : i32
      %sub3A_1466 = arith.subi %add3A_1464, %sub3A_1465 : i32
      %swap3A_1467 = arith.index_cast %sub3A_1466 : i32 to index
      %swap3A_1468 = arith.constant 0 : index
      %swap3A_1469 = tpu.vector_load %arg7[%swap3A_1467, %swap3A_1468] {strides = array<i32>} : memref<512x128xf32, #tpu.memory_space<vmem>>, vector<16xf32>,
      tpu.vector_store %arg7[%swap3A_1467, %swap3A_1468], %get3A_1356 {strides = array<i32>} : memref<512x128xf32, #tpu.memory_space<vmem>>, vector<16xf32>,
      %add3A_1470 = arith.constant 16 : i32
      %add3A_1471 = arith.addi %mul3A_270, %add3A_1470 : i32
      %get3A_1472 = arith.index_cast %add3A_1471 : i32 to index
      %get3A_1473 = tpu.vector_load %arg6[%get3A_1472] {strides = array<i32>} : memref<1280xf32, #tpu.memory_space<vmem>>, vector<16xf32>,
      %mul3A_1474 = arith.constant 16 : i32
      %mul3A_1475 = arith.muli %scan3A_217, %mul3A_1474 : i32
      %add3A_1476 = arith.constant 12 : i32
      %add3A_1477 = arith.addi %mul3A_1475, %add3A_1476 : i32
      %sub3A_1478 = arith.constant 1 : i32
      %sub3A_1479 = arith.subi %add3A_1477, %sub3A_1478 : i32
      %swap3A_1480 = arith.index_cast %sub3A_1479 : i32 to index
      %swap3A_1481 = arith.constant 16 : index
      %swap3A_1482 = tpu.vector_load %arg7[%swap3A_1480, %swap3A_1481] {strides = array<i32>} : memref<512x128xf32, #tpu.memory_space<vmem>>, vector<16xf32>,
      tpu.vector_store %arg7[%swap3A_1480, %swap3A_1481], %get3A_1369 {strides = array<i32>} : memref<512x128xf32, #tpu.memory_space<vmem>>, vector<16xf32>,
      %add3A_1483 = arith.constant 32 : i32
      %add3A_1484 = arith.addi %mul3A_270, %add3A_1483 : i32
      %get3A_1485 = arith.index_cast %add3A_1484 : i32 to index
      %get3A_1486 = tpu.vector_load %arg6[%get3A_1485] {strides = array<i32>} : memref<1280xf32, #tpu.memory_space<vmem>>, vector<16xf32>,
      %mul3A_1487 = arith.constant 16 : i32
      %mul3A_1488 = arith.muli %scan3A_217, %mul3A_1487 : i32
      %add3A_1489 = arith.constant 12 : i32
      %add3A_1490 = arith.addi %mul3A_1488, %add3A_1489 : i32
      %sub3A_1491 = arith.constant 1 : i32
      %sub3A_1492 = arith.subi %add3A_1490, %sub3A_1491 : i32
      %swap3A_1493 = arith.index_cast %sub3A_1492 : i32 to index
      %swap3A_1494 = arith.constant 32 : index
      %swap3A_1495 = tpu.vector_load %arg7[%swap3A_1493, %swap3A_1494] {strides = array<i32>} : memref<512x128xf32, #tpu.memory_space<vmem>>, vector<16xf32>,
      tpu.vector_store %arg7[%swap3A_1493, %swap3A_1494], %get3A_1382 {strides = array<i32>} : memref<512x128xf32, #tpu.memory_space<vmem>>, vector<16xf32>,
      %add3A_1496 = arith.constant 48 : i32
      %add3A_1497 = arith.addi %mul3A_270, %add3A_1496 : i32
      %get3A_1498 = arith.index_cast %add3A_1497 : i32 to index
      %get3A_1499 = tpu.vector_load %arg6[%get3A_1498] {strides = array<i32>} : memref<1280xf32, #tpu.memory_space<vmem>>, vector<16xf32>,
      %mul3A_1500 = arith.constant 16 : i32
      %mul3A_1501 = arith.muli %scan3A_217, %mul3A_1500 : i32
      %add3A_1502 = arith.constant 12 : i32
      %add3A_1503 = arith.addi %mul3A_1501, %add3A_1502 : i32
      %sub3A_1504 = arith.constant 1 : i32
      %sub3A_1505 = arith.subi %add3A_1503, %sub3A_1504 : i32
      %swap3A_1506 = arith.index_cast %sub3A_1505 : i32 to index
      %swap3A_1507 = arith.constant 48 : index
      %swap3A_1508 = tpu.vector_load %arg7[%swap3A_1506, %swap3A_1507] {strides = array<i32>} : memref<512x128xf32, #tpu.memory_space<vmem>>, vector<16xf32>,
      tpu.vector_store %arg7[%swap3A_1506, %swap3A_1507], %get3A_1395 {strides = array<i32>} : memref<512x128xf32, #tpu.memory_space<vmem>>, vector<16xf32>,
      %add3A_1509 = arith.constant 64 : i32
      %add3A_1510 = arith.addi %mul3A_270, %add3A_1509 : i32
      %get3A_1511 = arith.index_cast %add3A_1510 : i32 to index
      %get3A_1512 = tpu.vector_load %arg6[%get3A_1511] {strides = array<i32>} : memref<1280xf32, #tpu.memory_space<vmem>>, vector<16xf32>,
      %mul3A_1513 = arith.constant 16 : i32
      %mul3A_1514 = arith.muli %scan3A_217, %mul3A_1513 : i32
      %add3A_1515 = arith.constant 12 : i32
      %add3A_1516 = arith.addi %mul3A_1514, %add3A_1515 : i32
      %sub3A_1517 = arith.constant 1 : i32
      %sub3A_1518 = arith.subi %add3A_1516, %sub3A_1517 : i32
      %swap3A_1519 = arith.index_cast %sub3A_1518 : i32 to index
      %swap3A_1520 = arith.constant 64 : index
      %swap3A_1521 = tpu.vector_load %arg7[%swap3A_1519, %swap3A_1520] {strides = array<i32>} : memref<512x128xf32, #tpu.memory_space<vmem>>, vector<16xf32>,
      tpu.vector_store %arg7[%swap3A_1519, %swap3A_1520], %get3A_1408 {strides = array<i32>} : memref<512x128xf32, #tpu.memory_space<vmem>>, vector<16xf32>,
      %add3A_1522 = arith.constant 80 : i32
      %add3A_1523 = arith.addi %mul3A_270, %add3A_1522 : i32
      %get3A_1524 = arith.index_cast %add3A_1523 : i32 to index
      %get3A_1525 = tpu.vector_load %arg6[%get3A_1524] {strides = array<i32>} : memref<1280xf32, #tpu.memory_space<vmem>>, vector<16xf32>,
      %mul3A_1526 = arith.constant 16 : i32
      %mul3A_1527 = arith.muli %scan3A_217, %mul3A_1526 : i32
      %add3A_1528 = arith.constant 12 : i32
      %add3A_1529 = arith.addi %mul3A_1527, %add3A_1528 : i32
      %sub3A_1530 = arith.constant 1 : i32
      %sub3A_1531 = arith.subi %add3A_1529, %sub3A_1530 : i32
      %swap3A_1532 = arith.index_cast %sub3A_1531 : i32 to index
      %swap3A_1533 = arith.constant 80 : index
      %swap3A_1534 = tpu.vector_load %arg7[%swap3A_1532, %swap3A_1533] {strides = array<i32>} : memref<512x128xf32, #tpu.memory_space<vmem>>, vector<16xf32>,
      tpu.vector_store %arg7[%swap3A_1532, %swap3A_1533], %get3A_1421 {strides = array<i32>} : memref<512x128xf32, #tpu.memory_space<vmem>>, vector<16xf32>,
      %add3A_1535 = arith.constant 96 : i32
      %add3A_1536 = arith.addi %mul3A_270, %add3A_1535 : i32
      %get3A_1537 = arith.index_cast %add3A_1536 : i32 to index
      %get3A_1538 = tpu.vector_load %arg6[%get3A_1537] {strides = array<i32>} : memref<1280xf32, #tpu.memory_space<vmem>>, vector<16xf32>,
      %mul3A_1539 = arith.constant 16 : i32
      %mul3A_1540 = arith.muli %scan3A_217, %mul3A_1539 : i32
      %add3A_1541 = arith.constant 12 : i32
      %add3A_1542 = arith.addi %mul3A_1540, %add3A_1541 : i32
      %sub3A_1543 = arith.constant 1 : i32
      %sub3A_1544 = arith.subi %add3A_1542, %sub3A_1543 : i32
      %swap3A_1545 = arith.index_cast %sub3A_1544 : i32 to index
      %swap3A_1546 = arith.constant 96 : index
      %swap3A_1547 = tpu.vector_load %arg7[%swap3A_1545, %swap3A_1546] {strides = array<i32>} : memref<512x128xf32, #tpu.memory_space<vmem>>, vector<16xf32>,
      tpu.vector_store %arg7[%swap3A_1545, %swap3A_1546], %get3A_1434 {strides = array<i32>} : memref<512x128xf32, #tpu.memory_space<vmem>>, vector<16xf32>,
      %add3A_1548 = arith.constant 112 : i32
      %add3A_1549 = arith.addi %mul3A_270, %add3A_1548 : i32
      %get3A_1550 = arith.index_cast %add3A_1549 : i32 to index
      %get3A_1551 = tpu.vector_load %arg6[%get3A_1550] {strides = array<i32>} : memref<1280xf32, #tpu.memory_space<vmem>>, vector<16xf32>,
      %mul3A_1552 = arith.constant 16 : i32
      %mul3A_1553 = arith.muli %scan3A_217, %mul3A_1552 : i32
      %add3A_1554 = arith.constant 12 : i32
      %add3A_1555 = arith.addi %mul3A_1553, %add3A_1554 : i32
      %sub3A_1556 = arith.constant 1 : i32
      %sub3A_1557 = arith.subi %add3A_1555, %sub3A_1556 : i32
      %swap3A_1558 = arith.index_cast %sub3A_1557 : i32 to index
      %swap3A_1559 = arith.constant 112 : index
      %swap3A_1560 = tpu.vector_load %arg7[%swap3A_1558, %swap3A_1559] {strides = array<i32>} : memref<512x128xf32, #tpu.memory_space<vmem>>, vector<16xf32>,
      tpu.vector_store %arg7[%swap3A_1558, %swap3A_1559], %get3A_1447 {strides = array<i32>} : memref<512x128xf32, #tpu.memory_space<vmem>>, vector<16xf32>,
      %add3A_1561 = arith.constant 0 : i32
      %add3A_1562 = arith.addi %mul3A_274, %add3A_1561 : i32
      %get3A_1563 = arith.index_cast %add3A_1562 : i32 to index
      %get3A_1564 = tpu.vector_load %arg6[%get3A_1563] {strides = array<i32>} : memref<1280xf32, #tpu.memory_space<vmem>>, vector<16xf32>,
      %mul3A_1565 = arith.constant 16 : i32
      %mul3A_1566 = arith.muli %scan3A_217, %mul3A_1565 : i32
      %add3A_1567 = arith.constant 13 : i32
      %add3A_1568 = arith.addi %mul3A_1566, %add3A_1567 : i32
      %sub3A_1569 = arith.constant 1 : i32
      %sub3A_1570 = arith.subi %add3A_1568, %sub3A_1569 : i32
      %swap3A_1571 = arith.index_cast %sub3A_1570 : i32 to index
      %swap3A_1572 = arith.constant 0 : index
      %swap3A_1573 = tpu.vector_load %arg7[%swap3A_1571, %swap3A_1572] {strides = array<i32>} : memref<512x128xf32, #tpu.memory_space<vmem>>, vector<16xf32>,
      tpu.vector_store %arg7[%swap3A_1571, %swap3A_1572], %get3A_1460 {strides = array<i32>} : memref<512x128xf32, #tpu.memory_space<vmem>>, vector<16xf32>,
      %add3A_1574 = arith.constant 16 : i32
      %add3A_1575 = arith.addi %mul3A_274, %add3A_1574 : i32
      %get3A_1576 = arith.index_cast %add3A_1575 : i32 to index
      %get3A_1577 = tpu.vector_load %arg6[%get3A_1576] {strides = array<i32>} : memref<1280xf32, #tpu.memory_space<vmem>>, vector<16xf32>,
      %mul3A_1578 = arith.constant 16 : i32
      %mul3A_1579 = arith.muli %scan3A_217, %mul3A_1578 : i32
      %add3A_1580 = arith.constant 13 : i32
      %add3A_1581 = arith.addi %mul3A_1579, %add3A_1580 : i32
      %sub3A_1582 = arith.constant 1 : i32
      %sub3A_1583 = arith.subi %add3A_1581, %sub3A_1582 : i32
      %swap3A_1584 = arith.index_cast %sub3A_1583 : i32 to index
      %swap3A_1585 = arith.constant 16 : index
      %swap3A_1586 = tpu.vector_load %arg7[%swap3A_1584, %swap3A_1585] {strides = array<i32>} : memref<512x128xf32, #tpu.memory_space<vmem>>, vector<16xf32>,
      tpu.vector_store %arg7[%swap3A_1584, %swap3A_1585], %get3A_1473 {strides = array<i32>} : memref<512x128xf32, #tpu.memory_space<vmem>>, vector<16xf32>,
      %add3A_1587 = arith.constant 32 : i32
      %add3A_1588 = arith.addi %mul3A_274, %add3A_1587 : i32
      %get3A_1589 = arith.index_cast %add3A_1588 : i32 to index
      %get3A_1590 = tpu.vector_load %arg6[%get3A_1589] {strides = array<i32>} : memref<1280xf32, #tpu.memory_space<vmem>>, vector<16xf32>,
      %mul3A_1591 = arith.constant 16 : i32
      %mul3A_1592 = arith.muli %scan3A_217, %mul3A_1591 : i32
      %add3A_1593 = arith.constant 13 : i32
      %add3A_1594 = arith.addi %mul3A_1592, %add3A_1593 : i32
      %sub3A_1595 = arith.constant 1 : i32
      %sub3A_1596 = arith.subi %add3A_1594, %sub3A_1595 : i32
      %swap3A_1597 = arith.index_cast %sub3A_1596 : i32 to index
      %swap3A_1598 = arith.constant 32 : index
      %swap3A_1599 = tpu.vector_load %arg7[%swap3A_1597, %swap3A_1598] {strides = array<i32>} : memref<512x128xf32, #tpu.memory_space<vmem>>, vector<16xf32>,
      tpu.vector_store %arg7[%swap3A_1597, %swap3A_1598], %get3A_1486 {strides = array<i32>} : memref<512x128xf32, #tpu.memory_space<vmem>>, vector<16xf32>,
      %add3A_1600 = arith.constant 48 : i32
      %add3A_1601 = arith.addi %mul3A_274, %add3A_1600 : i32
      %get3A_1602 = arith.index_cast %add3A_1601 : i32 to index
      %get3A_1603 = tpu.vector_load %arg6[%get3A_1602] {strides = array<i32>} : memref<1280xf32, #tpu.memory_space<vmem>>, vector<16xf32>,
      %mul3A_1604 = arith.constant 16 : i32
      %mul3A_1605 = arith.muli %scan3A_217, %mul3A_1604 : i32
      %add3A_1606 = arith.constant 13 : i32
      %add3A_1607 = arith.addi %mul3A_1605, %add3A_1606 : i32
      %sub3A_1608 = arith.constant 1 : i32
      %sub3A_1609 = arith.subi %add3A_1607, %sub3A_1608 : i32
      %swap3A_1610 = arith.index_cast %sub3A_1609 : i32 to index
      %swap3A_1611 = arith.constant 48 : index
      %swap3A_1612 = tpu.vector_load %arg7[%swap3A_1610, %swap3A_1611] {strides = array<i32>} : memref<512x128xf32, #tpu.memory_space<vmem>>, vector<16xf32>,
      tpu.vector_store %arg7[%swap3A_1610, %swap3A_1611], %get3A_1499 {strides = array<i32>} : memref<512x128xf32, #tpu.memory_space<vmem>>, vector<16xf32>,
      %add3A_1613 = arith.constant 64 : i32
      %add3A_1614 = arith.addi %mul3A_274, %add3A_1613 : i32
      %get3A_1615 = arith.index_cast %add3A_1614 : i32 to index
      %get3A_1616 = tpu.vector_load %arg6[%get3A_1615] {strides = array<i32>} : memref<1280xf32, #tpu.memory_space<vmem>>, vector<16xf32>,
      %mul3A_1617 = arith.constant 16 : i32
      %mul3A_1618 = arith.muli %scan3A_217, %mul3A_1617 : i32
      %add3A_1619 = arith.constant 13 : i32
      %add3A_1620 = arith.addi %mul3A_1618, %add3A_1619 : i32
      %sub3A_1621 = arith.constant 1 : i32
      %sub3A_1622 = arith.subi %add3A_1620, %sub3A_1621 : i32
      %swap3A_1623 = arith.index_cast %sub3A_1622 : i32 to index
      %swap3A_1624 = arith.constant 64 : index
      %swap3A_1625 = tpu.vector_load %arg7[%swap3A_1623, %swap3A_1624] {strides = array<i32>} : memref<512x128xf32, #tpu.memory_space<vmem>>, vector<16xf32>,
      tpu.vector_store %arg7[%swap3A_1623, %swap3A_1624], %get3A_1512 {strides = array<i32>} : memref<512x128xf32, #tpu.memory_space<vmem>>, vector<16xf32>,
      %add3A_1626 = arith.constant 80 : i32
      %add3A_1627 = arith.addi %mul3A_274, %add3A_1626 : i32
      %get3A_1628 = arith.index_cast %add3A_1627 : i32 to index
      %get3A_1629 = tpu.vector_load %arg6[%get3A_1628] {strides = array<i32>} : memref<1280xf32, #tpu.memory_space<vmem>>, vector<16xf32>,
      %mul3A_1630 = arith.constant 16 : i32
      %mul3A_1631 = arith.muli %scan3A_217, %mul3A_1630 : i32
      %add3A_1632 = arith.constant 13 : i32
      %add3A_1633 = arith.addi %mul3A_1631, %add3A_1632 : i32
      %sub3A_1634 = arith.constant 1 : i32
      %sub3A_1635 = arith.subi %add3A_1633, %sub3A_1634 : i32
      %swap3A_1636 = arith.index_cast %sub3A_1635 : i32 to index
      %swap3A_1637 = arith.constant 80 : index
      %swap3A_1638 = tpu.vector_load %arg7[%swap3A_1636, %swap3A_1637] {strides = array<i32>} : memref<512x128xf32, #tpu.memory_space<vmem>>, vector<16xf32>,
      tpu.vector_store %arg7[%swap3A_1636, %swap3A_1637], %get3A_1525 {strides = array<i32>} : memref<512x128xf32, #tpu.memory_space<vmem>>, vector<16xf32>,
      %add3A_1639 = arith.constant 96 : i32
      %add3A_1640 = arith.addi %mul3A_274, %add3A_1639 : i32
      %get3A_1641 = arith.index_cast %add3A_1640 : i32 to index
      %get3A_1642 = tpu.vector_load %arg6[%get3A_1641] {strides = array<i32>} : memref<1280xf32, #tpu.memory_space<vmem>>, vector<16xf32>,
      %mul3A_1643 = arith.constant 16 : i32
      %mul3A_1644 = arith.muli %scan3A_217, %mul3A_1643 : i32
      %add3A_1645 = arith.constant 13 : i32
      %add3A_1646 = arith.addi %mul3A_1644, %add3A_1645 : i32
      %sub3A_1647 = arith.constant 1 : i32
      %sub3A_1648 = arith.subi %add3A_1646, %sub3A_1647 : i32
      %swap3A_1649 = arith.index_cast %sub3A_1648 : i32 to index
      %swap3A_1650 = arith.constant 96 : index
      %swap3A_1651 = tpu.vector_load %arg7[%swap3A_1649, %swap3A_1650] {strides = array<i32>} : memref<512x128xf32, #tpu.memory_space<vmem>>, vector<16xf32>,
      tpu.vector_store %arg7[%swap3A_1649, %swap3A_1650], %get3A_1538 {strides = array<i32>} : memref<512x128xf32, #tpu.memory_space<vmem>>, vector<16xf32>,
      %add3A_1652 = arith.constant 112 : i32
      %add3A_1653 = arith.addi %mul3A_274, %add3A_1652 : i32
      %get3A_1654 = arith.index_cast %add3A_1653 : i32 to index
      %get3A_1655 = tpu.vector_load %arg6[%get3A_1654] {strides = array<i32>} : memref<1280xf32, #tpu.memory_space<vmem>>, vector<16xf32>,
      %mul3A_1656 = arith.constant 16 : i32
      %mul3A_1657 = arith.muli %scan3A_217, %mul3A_1656 : i32
      %add3A_1658 = arith.constant 13 : i32
      %add3A_1659 = arith.addi %mul3A_1657, %add3A_1658 : i32
      %sub3A_1660 = arith.constant 1 : i32
      %sub3A_1661 = arith.subi %add3A_1659, %sub3A_1660 : i32
      %swap3A_1662 = arith.index_cast %sub3A_1661 : i32 to index
      %swap3A_1663 = arith.constant 112 : index
      %swap3A_1664 = tpu.vector_load %arg7[%swap3A_1662, %swap3A_1663] {strides = array<i32>} : memref<512x128xf32, #tpu.memory_space<vmem>>, vector<16xf32>,
      tpu.vector_store %arg7[%swap3A_1662, %swap3A_1663], %get3A_1551 {strides = array<i32>} : memref<512x128xf32, #tpu.memory_space<vmem>>, vector<16xf32>,
      %add3A_1665 = arith.constant 0 : i32
      %add3A_1666 = arith.addi %mul3A_278, %add3A_1665 : i32
      %get3A_1667 = arith.index_cast %add3A_1666 : i32 to index
      %get3A_1668 = tpu.vector_load %arg6[%get3A_1667] {strides = array<i32>} : memref<1280xf32, #tpu.memory_space<vmem>>, vector<16xf32>,
      %mul3A_1669 = arith.constant 16 : i32
      %mul3A_1670 = arith.muli %scan3A_217, %mul3A_1669 : i32
      %add3A_1671 = arith.constant 14 : i32
      %add3A_1672 = arith.addi %mul3A_1670, %add3A_1671 : i32
      %sub3A_1673 = arith.constant 1 : i32
      %sub3A_1674 = arith.subi %add3A_1672, %sub3A_1673 : i32
      %swap3A_1675 = arith.index_cast %sub3A_1674 : i32 to index
      %swap3A_1676 = arith.constant 0 : index
      %swap3A_1677 = tpu.vector_load %arg7[%swap3A_1675, %swap3A_1676] {strides = array<i32>} : memref<512x128xf32, #tpu.memory_space<vmem>>, vector<16xf32>,
      tpu.vector_store %arg7[%swap3A_1675, %swap3A_1676], %get3A_1564 {strides = array<i32>} : memref<512x128xf32, #tpu.memory_space<vmem>>, vector<16xf32>,
      %add3A_1678 = arith.constant 16 : i32
      %add3A_1679 = arith.addi %mul3A_278, %add3A_1678 : i32
      %get3A_1680 = arith.index_cast %add3A_1679 : i32 to index
      %get3A_1681 = tpu.vector_load %arg6[%get3A_1680] {strides = array<i32>} : memref<1280xf32, #tpu.memory_space<vmem>>, vector<16xf32>,
      %mul3A_1682 = arith.constant 16 : i32
      %mul3A_1683 = arith.muli %scan3A_217, %mul3A_1682 : i32
      %add3A_1684 = arith.constant 14 : i32
      %add3A_1685 = arith.addi %mul3A_1683, %add3A_1684 : i32
      %sub3A_1686 = arith.constant 1 : i32
      %sub3A_1687 = arith.subi %add3A_1685, %sub3A_1686 : i32
      %swap3A_1688 = arith.index_cast %sub3A_1687 : i32 to index
      %swap3A_1689 = arith.constant 16 : index
      %swap3A_1690 = tpu.vector_load %arg7[%swap3A_1688, %swap3A_1689] {strides = array<i32>} : memref<512x128xf32, #tpu.memory_space<vmem>>, vector<16xf32>,
      tpu.vector_store %arg7[%swap3A_1688, %swap3A_1689], %get3A_1577 {strides = array<i32>} : memref<512x128xf32, #tpu.memory_space<vmem>>, vector<16xf32>,
      %add3A_1691 = arith.constant 32 : i32
      %add3A_1692 = arith.addi %mul3A_278, %add3A_1691 : i32
      %get3A_1693 = arith.index_cast %add3A_1692 : i32 to index
      %get3A_1694 = tpu.vector_load %arg6[%get3A_1693] {strides = array<i32>} : memref<1280xf32, #tpu.memory_space<vmem>>, vector<16xf32>,
      %mul3A_1695 = arith.constant 16 : i32
      %mul3A_1696 = arith.muli %scan3A_217, %mul3A_1695 : i32
      %add3A_1697 = arith.constant 14 : i32
      %add3A_1698 = arith.addi %mul3A_1696, %add3A_1697 : i32
      %sub3A_1699 = arith.constant 1 : i32
      %sub3A_1700 = arith.subi %add3A_1698, %sub3A_1699 : i32
      %swap3A_1701 = arith.index_cast %sub3A_1700 : i32 to index
      %swap3A_1702 = arith.constant 32 : index
      %swap3A_1703 = tpu.vector_load %arg7[%swap3A_1701, %swap3A_1702] {strides = array<i32>} : memref<512x128xf32, #tpu.memory_space<vmem>>, vector<16xf32>,
      tpu.vector_store %arg7[%swap3A_1701, %swap3A_1702], %get3A_1590 {strides = array<i32>} : memref<512x128xf32, #tpu.memory_space<vmem>>, vector<16xf32>,
      %add3A_1704 = arith.constant 48 : i32
      %add3A_1705 = arith.addi %mul3A_278, %add3A_1704 : i32
      %get3A_1706 = arith.index_cast %add3A_1705 : i32 to index
      %get3A_1707 = tpu.vector_load %arg6[%get3A_1706] {strides = array<i32>} : memref<1280xf32, #tpu.memory_space<vmem>>, vector<16xf32>,
      %mul3A_1708 = arith.constant 16 : i32
      %mul3A_1709 = arith.muli %scan3A_217, %mul3A_1708 : i32
      %add3A_1710 = arith.constant 14 : i32
      %add3A_1711 = arith.addi %mul3A_1709, %add3A_1710 : i32
      %sub3A_1712 = arith.constant 1 : i32
      %sub3A_1713 = arith.subi %add3A_1711, %sub3A_1712 : i32
      %swap3A_1714 = arith.index_cast %sub3A_1713 : i32 to index
      %swap3A_1715 = arith.constant 48 : index
      %swap3A_1716 = tpu.vector_load %arg7[%swap3A_1714, %swap3A_1715] {strides = array<i32>} : memref<512x128xf32, #tpu.memory_space<vmem>>, vector<16xf32>,
      tpu.vector_store %arg7[%swap3A_1714, %swap3A_1715], %get3A_1603 {strides = array<i32>} : memref<512x128xf32, #tpu.memory_space<vmem>>, vector<16xf32>,
      %add3A_1717 = arith.constant 64 : i32
      %add3A_1718 = arith.addi %mul3A_278, %add3A_1717 : i32
      %get3A_1719 = arith.index_cast %add3A_1718 : i32 to index
      %get3A_1720 = tpu.vector_load %arg6[%get3A_1719] {strides = array<i32>} : memref<1280xf32, #tpu.memory_space<vmem>>, vector<16xf32>,
      %mul3A_1721 = arith.constant 16 : i32
      %mul3A_1722 = arith.muli %scan3A_217, %mul3A_1721 : i32
      %add3A_1723 = arith.constant 14 : i32
      %add3A_1724 = arith.addi %mul3A_1722, %add3A_1723 : i32
      %sub3A_1725 = arith.constant 1 : i32
      %sub3A_1726 = arith.subi %add3A_1724, %sub3A_1725 : i32
      %swap3A_1727 = arith.index_cast %sub3A_1726 : i32 to index
      %swap3A_1728 = arith.constant 64 : index
      %swap3A_1729 = tpu.vector_load %arg7[%swap3A_1727, %swap3A_1728] {strides = array<i32>} : memref<512x128xf32, #tpu.memory_space<vmem>>, vector<16xf32>,
      tpu.vector_store %arg7[%swap3A_1727, %swap3A_1728], %get3A_1616 {strides = array<i32>} : memref<512x128xf32, #tpu.memory_space<vmem>>, vector<16xf32>,
      %add3A_1730 = arith.constant 80 : i32
      %add3A_1731 = arith.addi %mul3A_278, %add3A_1730 : i32
      %get3A_1732 = arith.index_cast %add3A_1731 : i32 to index
      %get3A_1733 = tpu.vector_load %arg6[%get3A_1732] {strides = array<i32>} : memref<1280xf32, #tpu.memory_space<vmem>>, vector<16xf32>,
      %mul3A_1734 = arith.constant 16 : i32
      %mul3A_1735 = arith.muli %scan3A_217, %mul3A_1734 : i32
      %add3A_1736 = arith.constant 14 : i32
      %add3A_1737 = arith.addi %mul3A_1735, %add3A_1736 : i32
      %sub3A_1738 = arith.constant 1 : i32
      %sub3A_1739 = arith.subi %add3A_1737, %sub3A_1738 : i32
      %swap3A_1740 = arith.index_cast %sub3A_1739 : i32 to index
      %swap3A_1741 = arith.constant 80 : index
      %swap3A_1742 = tpu.vector_load %arg7[%swap3A_1740, %swap3A_1741] {strides = array<i32>} : memref<512x128xf32, #tpu.memory_space<vmem>>, vector<16xf32>,
      tpu.vector_store %arg7[%swap3A_1740, %swap3A_1741], %get3A_1629 {strides = array<i32>} : memref<512x128xf32, #tpu.memory_space<vmem>>, vector<16xf32>,
      %add3A_1743 = arith.constant 96 : i32
      %add3A_1744 = arith.addi %mul3A_278, %add3A_1743 : i32
      %get3A_1745 = arith.index_cast %add3A_1744 : i32 to index
      %get3A_1746 = tpu.vector_load %arg6[%get3A_1745] {strides = array<i32>} : memref<1280xf32, #tpu.memory_space<vmem>>, vector<16xf32>,
      %mul3A_1747 = arith.constant 16 : i32
      %mul3A_1748 = arith.muli %scan3A_217, %mul3A_1747 : i32
      %add3A_1749 = arith.constant 14 : i32
      %add3A_1750 = arith.addi %mul3A_1748, %add3A_1749 : i32
      %sub3A_1751 = arith.constant 1 : i32
      %sub3A_1752 = arith.subi %add3A_1750, %sub3A_1751 : i32
      %swap3A_1753 = arith.index_cast %sub3A_1752 : i32 to index
      %swap3A_1754 = arith.constant 96 : index
      %swap3A_1755 = tpu.vector_load %arg7[%swap3A_1753, %swap3A_1754] {strides = array<i32>} : memref<512x128xf32, #tpu.memory_space<vmem>>, vector<16xf32>,
      tpu.vector_store %arg7[%swap3A_1753, %swap3A_1754], %get3A_1642 {strides = array<i32>} : memref<512x128xf32, #tpu.memory_space<vmem>>, vector<16xf32>,
      %add3A_1756 = arith.constant 112 : i32
      %add3A_1757 = arith.addi %mul3A_278, %add3A_1756 : i32
      %get3A_1758 = arith.index_cast %add3A_1757 : i32 to index
      %get3A_1759 = tpu.vector_load %arg6[%get3A_1758] {strides = array<i32>} : memref<1280xf32, #tpu.memory_space<vmem>>, vector<16xf32>,
      %mul3A_1760 = arith.constant 16 : i32
      %mul3A_1761 = arith.muli %scan3A_217, %mul3A_1760 : i32
      %add3A_1762 = arith.constant 14 : i32
      %add3A_1763 = arith.addi %mul3A_1761, %add3A_1762 : i32
      %sub3A_1764 = arith.constant 1 : i32
      %sub3A_1765 = arith.subi %add3A_1763, %sub3A_1764 : i32
      %swap3A_1766 = arith.index_cast %sub3A_1765 : i32 to index
      %swap3A_1767 = arith.constant 112 : index
      %swap3A_1768 = tpu.vector_load %arg7[%swap3A_1766, %swap3A_1767] {strides = array<i32>} : memref<512x128xf32, #tpu.memory_space<vmem>>, vector<16xf32>,
      tpu.vector_store %arg7[%swap3A_1766, %swap3A_1767], %get3A_1655 {strides = array<i32>} : memref<512x128xf32, #tpu.memory_space<vmem>>, vector<16xf32>,
      %add3A_1769 = arith.constant 0 : i32
      %add3A_1770 = arith.addi %mul3A_282, %add3A_1769 : i32
      %get3A_1771 = arith.index_cast %add3A_1770 : i32 to index
      %get3A_1772 = tpu.vector_load %arg6[%get3A_1771] {strides = array<i32>} : memref<1280xf32, #tpu.memory_space<vmem>>, vector<16xf32>,
      %mul3A_1773 = arith.constant 16 : i32
      %mul3A_1774 = arith.muli %scan3A_217, %mul3A_1773 : i32
      %add3A_1775 = arith.constant 15 : i32
      %add3A_1776 = arith.addi %mul3A_1774, %add3A_1775 : i32
      %sub3A_1777 = arith.constant 1 : i32
      %sub3A_1778 = arith.subi %add3A_1776, %sub3A_1777 : i32
      %swap3A_1779 = arith.index_cast %sub3A_1778 : i32 to index
      %swap3A_1780 = arith.constant 0 : index
      %swap3A_1781 = tpu.vector_load %arg7[%swap3A_1779, %swap3A_1780] {strides = array<i32>} : memref<512x128xf32, #tpu.memory_space<vmem>>, vector<16xf32>,
      tpu.vector_store %arg7[%swap3A_1779, %swap3A_1780], %get3A_1668 {strides = array<i32>} : memref<512x128xf32, #tpu.memory_space<vmem>>, vector<16xf32>,
      %add3A_1782 = arith.constant 16 : i32
      %add3A_1783 = arith.addi %mul3A_282, %add3A_1782 : i32
      %get3A_1784 = arith.index_cast %add3A_1783 : i32 to index
      %get3A_1785 = tpu.vector_load %arg6[%get3A_1784] {strides = array<i32>} : memref<1280xf32, #tpu.memory_space<vmem>>, vector<16xf32>,
      %mul3A_1786 = arith.constant 16 : i32
      %mul3A_1787 = arith.muli %scan3A_217, %mul3A_1786 : i32
      %add3A_1788 = arith.constant 15 : i32
      %add3A_1789 = arith.addi %mul3A_1787, %add3A_1788 : i32
      %sub3A_1790 = arith.constant 1 : i32
      %sub3A_1791 = arith.subi %add3A_1789, %sub3A_1790 : i32
      %swap3A_1792 = arith.index_cast %sub3A_1791 : i32 to index
      %swap3A_1793 = arith.constant 16 : index
      %swap3A_1794 = tpu.vector_load %arg7[%swap3A_1792, %swap3A_1793] {strides = array<i32>} : memref<512x128xf32, #tpu.memory_space<vmem>>, vector<16xf32>,
      tpu.vector_store %arg7[%swap3A_1792, %swap3A_1793], %get3A_1681 {strides = array<i32>} : memref<512x128xf32, #tpu.memory_space<vmem>>, vector<16xf32>,
      %add3A_1795 = arith.constant 32 : i32
      %add3A_1796 = arith.addi %mul3A_282, %add3A_1795 : i32
      %get3A_1797 = arith.index_cast %add3A_1796 : i32 to index
      %get3A_1798 = tpu.vector_load %arg6[%get3A_1797] {strides = array<i32>} : memref<1280xf32, #tpu.memory_space<vmem>>, vector<16xf32>,
      %mul3A_1799 = arith.constant 16 : i32
      %mul3A_1800 = arith.muli %scan3A_217, %mul3A_1799 : i32
      %add3A_1801 = arith.constant 15 : i32
      %add3A_1802 = arith.addi %mul3A_1800, %add3A_1801 : i32
      %sub3A_1803 = arith.constant 1 : i32
      %sub3A_1804 = arith.subi %add3A_1802, %sub3A_1803 : i32
      %swap3A_1805 = arith.index_cast %sub3A_1804 : i32 to index
      %swap3A_1806 = arith.constant 32 : index
      %swap3A_1807 = tpu.vector_load %arg7[%swap3A_1805, %swap3A_1806] {strides = array<i32>} : memref<512x128xf32, #tpu.memory_space<vmem>>, vector<16xf32>,
      tpu.vector_store %arg7[%swap3A_1805, %swap3A_1806], %get3A_1694 {strides = array<i32>} : memref<512x128xf32, #tpu.memory_space<vmem>>, vector<16xf32>,
      %add3A_1808 = arith.constant 48 : i32
      %add3A_1809 = arith.addi %mul3A_282, %add3A_1808 : i32
      %get3A_1810 = arith.index_cast %add3A_1809 : i32 to index
      %get3A_1811 = tpu.vector_load %arg6[%get3A_1810] {strides = array<i32>} : memref<1280xf32, #tpu.memory_space<vmem>>, vector<16xf32>,
      %mul3A_1812 = arith.constant 16 : i32
      %mul3A_1813 = arith.muli %scan3A_217, %mul3A_1812 : i32
      %add3A_1814 = arith.constant 15 : i32
      %add3A_1815 = arith.addi %mul3A_1813, %add3A_1814 : i32
      %sub3A_1816 = arith.constant 1 : i32
      %sub3A_1817 = arith.subi %add3A_1815, %sub3A_1816 : i32
      %swap3A_1818 = arith.index_cast %sub3A_1817 : i32 to index
      %swap3A_1819 = arith.constant 48 : index
      %swap3A_1820 = tpu.vector_load %arg7[%swap3A_1818, %swap3A_1819] {strides = array<i32>} : memref<512x128xf32, #tpu.memory_space<vmem>>, vector<16xf32>,
      tpu.vector_store %arg7[%swap3A_1818, %swap3A_1819], %get3A_1707 {strides = array<i32>} : memref<512x128xf32, #tpu.memory_space<vmem>>, vector<16xf32>,
      %add3A_1821 = arith.constant 64 : i32
      %add3A_1822 = arith.addi %mul3A_282, %add3A_1821 : i32
      %get3A_1823 = arith.index_cast %add3A_1822 : i32 to index
      %get3A_1824 = tpu.vector_load %arg6[%get3A_1823] {strides = array<i32>} : memref<1280xf32, #tpu.memory_space<vmem>>, vector<16xf32>,
      %mul3A_1825 = arith.constant 16 : i32
      %mul3A_1826 = arith.muli %scan3A_217, %mul3A_1825 : i32
      %add3A_1827 = arith.constant 15 : i32
      %add3A_1828 = arith.addi %mul3A_1826, %add3A_1827 : i32
      %sub3A_1829 = arith.constant 1 : i32
      %sub3A_1830 = arith.subi %add3A_1828, %sub3A_1829 : i32
      %swap3A_1831 = arith.index_cast %sub3A_1830 : i32 to index
      %swap3A_1832 = arith.constant 64 : index
      %swap3A_1833 = tpu.vector_load %arg7[%swap3A_1831, %swap3A_1832] {strides = array<i32>} : memref<512x128xf32, #tpu.memory_space<vmem>>, vector<16xf32>,
      tpu.vector_store %arg7[%swap3A_1831, %swap3A_1832], %get3A_1720 {strides = array<i32>} : memref<512x128xf32, #tpu.memory_space<vmem>>, vector<16xf32>,
      %add3A_1834 = arith.constant 80 : i32
      %add3A_1835 = arith.addi %mul3A_282, %add3A_1834 : i32
      %get3A_1836 = arith.index_cast %add3A_1835 : i32 to index
      %get3A_1837 = tpu.vector_load %arg6[%get3A_1836] {strides = array<i32>} : memref<1280xf32, #tpu.memory_space<vmem>>, vector<16xf32>,
      %mul3A_1838 = arith.constant 16 : i32
      %mul3A_1839 = arith.muli %scan3A_217, %mul3A_1838 : i32
      %add3A_1840 = arith.constant 15 : i32
      %add3A_1841 = arith.addi %mul3A_1839, %add3A_1840 : i32
      %sub3A_1842 = arith.constant 1 : i32
      %sub3A_1843 = arith.subi %add3A_1841, %sub3A_1842 : i32
      %swap3A_1844 = arith.index_cast %sub3A_1843 : i32 to index
      %swap3A_1845 = arith.constant 80 : index
      %swap3A_1846 = tpu.vector_load %arg7[%swap3A_1844, %swap3A_1845] {strides = array<i32>} : memref<512x128xf32, #tpu.memory_space<vmem>>, vector<16xf32>,
      tpu.vector_store %arg7[%swap3A_1844, %swap3A_1845], %get3A_1733 {strides = array<i32>} : memref<512x128xf32, #tpu.memory_space<vmem>>, vector<16xf32>,
      %add3A_1847 = arith.constant 96 : i32
      %add3A_1848 = arith.addi %mul3A_282, %add3A_1847 : i32
      %get3A_1849 = arith.index_cast %add3A_1848 : i32 to index
      %get3A_1850 = tpu.vector_load %arg6[%get3A_1849] {strides = array<i32>} : memref<1280xf32, #tpu.memory_space<vmem>>, vector<16xf32>,
      %mul3A_1851 = arith.constant 16 : i32
      %mul3A_1852 = arith.muli %scan3A_217, %mul3A_1851 : i32
      %add3A_1853 = arith.constant 15 : i32
      %add3A_1854 = arith.addi %mul3A_1852, %add3A_1853 : i32
      %sub3A_1855 = arith.constant 1 : i32
      %sub3A_1856 = arith.subi %add3A_1854, %sub3A_1855 : i32
      %swap3A_1857 = arith.index_cast %sub3A_1856 : i32 to index
      %swap3A_1858 = arith.constant 96 : index
      %swap3A_1859 = tpu.vector_load %arg7[%swap3A_1857, %swap3A_1858] {strides = array<i32>} : memref<512x128xf32, #tpu.memory_space<vmem>>, vector<16xf32>,
      tpu.vector_store %arg7[%swap3A_1857, %swap3A_1858], %get3A_1746 {strides = array<i32>} : memref<512x128xf32, #tpu.memory_space<vmem>>, vector<16xf32>,
      %add3A_1860 = arith.constant 112 : i32
      %add3A_1861 = arith.addi %mul3A_282, %add3A_1860 : i32
      %get3A_1862 = arith.index_cast %add3A_1861 : i32 to index
      %get3A_1863 = tpu.vector_load %arg6[%get3A_1862] {strides = array<i32>} : memref<1280xf32, #tpu.memory_space<vmem>>, vector<16xf32>,
      %mul3A_1864 = arith.constant 16 : i32
      %mul3A_1865 = arith.muli %scan3A_217, %mul3A_1864 : i32
      %add3A_1866 = arith.constant 15 : i32
      %add3A_1867 = arith.addi %mul3A_1865, %add3A_1866 : i32
      %sub3A_1868 = arith.constant 1 : i32
      %sub3A_1869 = arith.subi %add3A_1867, %sub3A_1868 : i32
      %swap3A_1870 = arith.index_cast %sub3A_1869 : i32 to index
      %swap3A_1871 = arith.constant 112 : index
      %swap3A_1872 = tpu.vector_load %arg7[%swap3A_1870, %swap3A_1871] {strides = array<i32>} : memref<512x128xf32, #tpu.memory_space<vmem>>, vector<16xf32>,
      tpu.vector_store %arg7[%swap3A_1870, %swap3A_1871], %get3A_1759 {strides = array<i32>} : memref<512x128xf32, #tpu.memory_space<vmem>>, vector<16xf32>,
      %mul3A_1873 = arith.constant 16 : i32
      %mul3A_1874 = arith.muli %scan3A_217, %mul3A_1873 : i32
      %add3A_1875 = arith.constant 16 : i32
      %add3A_1876 = arith.addi %mul3A_1874, %add3A_1875 : i32
      %sub3A_1877 = arith.constant 1 : i32
      %sub3A_1878 = arith.subi %add3A_1876, %sub3A_1877 : i32
      %swap3A_1879 = arith.index_cast %sub3A_1878 : i32 to index
      %swap3A_1880 = arith.constant 0 : index
      %swap3A_1881 = tpu.vector_load %arg7[%swap3A_1879, %swap3A_1880] {strides = array<i32>} : memref<512x128xf32, #tpu.memory_space<vmem>>, vector<16xf32>,
      tpu.vector_store %arg7[%swap3A_1879, %swap3A_1880], %get3A_1772 {strides = array<i32>} : memref<512x128xf32, #tpu.memory_space<vmem>>, vector<16xf32>,
      %mul3A_1882 = arith.constant 16 : i32
      %mul3A_1883 = arith.muli %scan3A_217, %mul3A_1882 : i32
      %add3A_1884 = arith.constant 16 : i32
      %add3A_1885 = arith.addi %mul3A_1883, %add3A_1884 : i32
      %sub3A_1886 = arith.constant 1 : i32
      %sub3A_1887 = arith.subi %add3A_1885, %sub3A_1886 : i32
      %swap3A_1888 = arith.index_cast %sub3A_1887 : i32 to index
      %swap3A_1889 = arith.constant 16 : index
      %swap3A_1890 = tpu.vector_load %arg7[%swap3A_1888, %swap3A_1889] {strides = array<i32>} : memref<512x128xf32, #tpu.memory_space<vmem>>, vector<16xf32>,
      tpu.vector_store %arg7[%swap3A_1888, %swap3A_1889], %get3A_1785 {strides = array<i32>} : memref<512x128xf32, #tpu.memory_space<vmem>>, vector<16xf32>,
      %mul3A_1891 = arith.constant 16 : i32
      %mul3A_1892 = arith.muli %scan3A_217, %mul3A_1891 : i32
      %add3A_1893 = arith.constant 16 : i32
      %add3A_1894 = arith.addi %mul3A_1892, %add3A_1893 : i32
      %sub3A_1895 = arith.constant 1 : i32
      %sub3A_1896 = arith.subi %add3A_1894, %sub3A_1895 : i32
      %swap3A_1897 = arith.index_cast %sub3A_1896 : i32 to index
      %swap3A_1898 = arith.constant 32 : index
      %swap3A_1899 = tpu.vector_load %arg7[%swap3A_1897, %swap3A_1898] {strides = array<i32>} : memref<512x128xf32, #tpu.memory_space<vmem>>, vector<16xf32>,
      tpu.vector_store %arg7[%swap3A_1897, %swap3A_1898], %get3A_1798 {strides = array<i32>} : memref<512x128xf32, #tpu.memory_space<vmem>>, vector<16xf32>,
      %mul3A_1900 = arith.constant 16 : i32
      %mul3A_1901 = arith.muli %scan3A_217, %mul3A_1900 : i32
      %add3A_1902 = arith.constant 16 : i32
      %add3A_1903 = arith.addi %mul3A_1901, %add3A_1902 : i32
      %sub3A_1904 = arith.constant 1 : i32
      %sub3A_1905 = arith.subi %add3A_1903, %sub3A_1904 : i32
      %swap3A_1906 = arith.index_cast %sub3A_1905 : i32 to index
      %swap3A_1907 = arith.constant 48 : index
      %swap3A_1908 = tpu.vector_load %arg7[%swap3A_1906, %swap3A_1907] {strides = array<i32>} : memref<512x128xf32, #tpu.memory_space<vmem>>, vector<16xf32>,
      tpu.vector_store %arg7[%swap3A_1906, %swap3A_1907], %get3A_1811 {strides = array<i32>} : memref<512x128xf32, #tpu.memory_space<vmem>>, vector<16xf32>,
      %mul3A_1909 = arith.constant 16 : i32
      %mul3A_1910 = arith.muli %scan3A_217, %mul3A_1909 : i32
      %add3A_1911 = arith.constant 16 : i32
      %add3A_1912 = arith.addi %mul3A_1910, %add3A_1911 : i32
      %sub3A_1913 = arith.constant 1 : i32
      %sub3A_1914 = arith.subi %add3A_1912, %sub3A_1913 : i32
      %swap3A_1915 = arith.index_cast %sub3A_1914 : i32 to index
      %swap3A_1916 = arith.constant 64 : index
      %swap3A_1917 = tpu.vector_load %arg7[%swap3A_1915, %swap3A_1916] {strides = array<i32>} : memref<512x128xf32, #tpu.memory_space<vmem>>, vector<16xf32>,
      tpu.vector_store %arg7[%swap3A_1915, %swap3A_1916], %get3A_1824 {strides = array<i32>} : memref<512x128xf32, #tpu.memory_space<vmem>>, vector<16xf32>,
      %mul3A_1918 = arith.constant 16 : i32
      %mul3A_1919 = arith.muli %scan3A_217, %mul3A_1918 : i32
      %add3A_1920 = arith.constant 16 : i32
      %add3A_1921 = arith.addi %mul3A_1919, %add3A_1920 : i32
      %sub3A_1922 = arith.constant 1 : i32
      %sub3A_1923 = arith.subi %add3A_1921, %sub3A_1922 : i32
      %swap3A_1924 = arith.index_cast %sub3A_1923 : i32 to index
      %swap3A_1925 = arith.constant 80 : index
      %swap3A_1926 = tpu.vector_load %arg7[%swap3A_1924, %swap3A_1925] {strides = array<i32>} : memref<512x128xf32, #tpu.memory_space<vmem>>, vector<16xf32>,
      tpu.vector_store %arg7[%swap3A_1924, %swap3A_1925], %get3A_1837 {strides = array<i32>} : memref<512x128xf32, #tpu.memory_space<vmem>>, vector<16xf32>,
      %mul3A_1927 = arith.constant 16 : i32
      %mul3A_1928 = arith.muli %scan3A_217, %mul3A_1927 : i32
      %add3A_1929 = arith.constant 16 : i32
      %add3A_1930 = arith.addi %mul3A_1928, %add3A_1929 : i32
      %sub3A_1931 = arith.constant 1 : i32
      %sub3A_1932 = arith.subi %add3A_1930, %sub3A_1931 : i32
      %swap3A_1933 = arith.index_cast %sub3A_1932 : i32 to index
      %swap3A_1934 = arith.constant 96 : index
      %swap3A_1935 = tpu.vector_load %arg7[%swap3A_1933, %swap3A_1934] {strides = array<i32>} : memref<512x128xf32, #tpu.memory_space<vmem>>, vector<16xf32>,
      tpu.vector_store %arg7[%swap3A_1933, %swap3A_1934], %get3A_1850 {strides = array<i32>} : memref<512x128xf32, #tpu.memory_space<vmem>>, vector<16xf32>,
      %mul3A_1936 = arith.constant 16 : i32
      %mul3A_1937 = arith.muli %scan3A_217, %mul3A_1936 : i32
      %add3A_1938 = arith.constant 16 : i32
      %add3A_1939 = arith.addi %mul3A_1937, %add3A_1938 : i32
      %sub3A_1940 = arith.constant 1 : i32
      %sub3A_1941 = arith.subi %add3A_1939, %sub3A_1940 : i32
      %swap3A_1942 = arith.index_cast %sub3A_1941 : i32 to index
      %swap3A_1943 = arith.constant 112 : index
      %swap3A_1944 = tpu.vector_load %arg7[%swap3A_1942, %swap3A_1943] {strides = array<i32>} : memref<512x128xf32, #tpu.memory_space<vmem>>, vector<16xf32>,
      tpu.vector_store %arg7[%swap3A_1942, %swap3A_1943], %get3A_1863 {strides = array<i32>} : memref<512x128xf32, #tpu.memory_space<vmem>>, vector<16xf32>,
      %jit3A_1945 = arith.constant 2 : i32
      %eq3A_1946 = arith.constant 0 : i32
      %eq3A_1947 = arith.cmpi eq, %jit3A_1945, %eq3A_1946 : i32
      %jit3A_1948 = arith.constant 1 : i32
      %select_n3A_1949 = arith.select %eq3A_1947, %jit3A_1948, %jit3A_1945 : i32
      %rem3A_1950 = arith.remsi %scan3A_217, %select_n3A_1949 : i32
      %ne3A_1951 = arith.constant 0 : i32
      %ne3A_1952 = arith.cmpi ne, %rem3A_1950, %ne3A_1951 : i32
      %lt3A_1953 = arith.constant 0 : i32
      %lt3A_1954 = arith.cmpi slt, %rem3A_1950, %lt3A_1953 : i32
      %lt3A_1955 = arith.constant 0 : i32
      %lt3A_1956 = arith.cmpi slt, %select_n3A_1949, %lt3A_1955 : i32
      %ne3A_1957 = arith.xori %lt3A_1954, %lt3A_1956 : i1
      %and3A_1958 = arith.andi %ne3A_1957, %ne3A_1952 : i1
      %add3A_1959 = arith.addi %rem3A_1950, %select_n3A_1949 : i32
      %select_n3A_1960 = arith.select %and3A_1958, %add3A_1959, %rem3A_1950 : i32
      %eq3A_1961 = arith.constant 1 : i32
      %eq3A_1962 = arith.cmpi eq, %select_n3A_1960, %eq3A_1961 : i32
      %convert_element_type3A = arith.extui %eq3A_1962 : i1 to i32
      %cond3A = arith.constant 0 : i32
      %cond3A_1963 = arith.cmpi ne, %convert_element_type3A, %cond3A : i32
      scf.if %cond3A_1963 {
        %jit3A_1964 = arith.constant 2 : i32
        %div3A = arith.divsi %scan3A_217, %jit3A_1964 : i32
        %sign3A = arith.constant 0 : i32
        %sign3A_1965 = arith.cmpi sgt, %scan3A_217, %sign3A : i32
        %sign3A_1966 = arith.extui %sign3A_1965 : i1 to i32
        %sign3A_1967 = arith.constant 0 : i32
        %sign3A_1968 = arith.cmpi slt, %scan3A_217, %sign3A_1967 : i32
        %sign3A_1969 = arith.extui %sign3A_1968 : i1 to i32
        %sign3A_1970 = arith.subi %sign3A_1966, %sign3A_1969 : i32
        %sign3A_1971 = arith.constant 0 : i32
        %sign3A_1972 = arith.cmpi sgt, %jit3A_1964, %sign3A_1971 : i32
        %sign3A_1973 = arith.extui %sign3A_1972 : i1 to i32
        %sign3A_1974 = arith.constant 0 : i32
        %sign3A_1975 = arith.cmpi slt, %jit3A_1964, %sign3A_1974 : i32
        %sign3A_1976 = arith.extui %sign3A_1975 : i1 to i32
        %sign3A_1977 = arith.subi %sign3A_1973, %sign3A_1976 : i32
        %ne3A_1978 = arith.cmpi ne, %sign3A_1970, %sign3A_1977 : i32
        %rem3A_1979 = arith.remsi %scan3A_217, %jit3A_1964 : i32
        %ne3A_1980 = arith.constant 0 : i32
        %ne3A_1981 = arith.cmpi ne, %rem3A_1979, %ne3A_1980 : i32
        %and3A_1982 = arith.andi %ne3A_1978, %ne3A_1981 : i1
        %sub3A_1983 = arith.constant 1 : i32
        %sub3A_1984 = arith.subi %div3A, %sub3A_1983 : i32
        %select_n3A_1985 = arith.select %and3A_1982, %sub3A_1984, %div3A : i32
        %mul3A_1986 = arith.constant 32 : i32
        %mul3A_1987 = arith.muli %select_n3A_1985, %mul3A_1986 : i32
        %mul3A_1988 = arith.constant 32 : i32
        %mul3A_1989 = arith.muli %select_n3A_1985, %mul3A_1988 : i32
        %add3A_1990 = arith.addi %mul3A_2, %mul3A_1989 : i32
        %dma_start3A_1991 = arith.constant 0 : i32
        %dma_start3A_1992 = tpu.memref_slice %arg7[%mul3A_1987, %dma_start3A_1991] : memref<512x128xf32, #tpu.memory_space<vmem>> -> memref<32x128xf32, #tpu.memory_space<vmem>>
        %dma_start3A_1993 = arith.constant 0 : i32
        %dma_start3A_1994 = tpu.memref_slice %arg4[%add3A_1990, %dma_start3A_1993] : memref<16384x128xf32, #tpu.memory_space<hbm>> -> memref<32x128xf32, #tpu.memory_space<hbm>>
        %dma_start3A_1995 = arith.constant 0 : i32
        %dma_start3A_1996 = tpu.memref_slice %arg4[%add3A_1990, %dma_start3A_1995] : memref<16384x128xf32, #tpu.memory_space<hbm>> -> memref<32x128xf32, #tpu.memory_space<hbm>>
        %dma_start3A_1997 = arith.constant 0 : i32
        %dma_start3A_1998 = tpu.memref_slice %arg7[%mul3A_1987, %dma_start3A_1997] : memref<512x128xf32, #tpu.memory_space<vmem>> -> memref<32x128xf32, #tpu.memory_space<vmem>>
        tpu.enqueue_dma source(%dma_start3A_1998 : memref<32x128xf32, #tpu.memory_space<vmem>>) target(%dma_start3A_1996 : memref<32x128xf32, #tpu.memory_space<hbm>>) target_semaphore(%arg8 : memref<!tpu.dma_semaphore, #tpu.memory_space<semaphore_mem>>)
      } else {
      }
    }
    %scan3A_24 = arith.constant 32 : i32
    %add3A_25 = arith.constant 0 : i32
    %add3A_26 = arith.addi %mul3A_2, %add3A_25 : i32
    %dma_wait3A_27 = arith.constant 0 : i32
    %dma_wait3A_28 = arith.constant 0 : i32
    %dma_wait3A_29 = tpu.memref_slice %arg7[%dma_wait3A_27, %dma_wait3A_28] : memref<512x128xf32, #tpu.memory_space<vmem>> -> memref<32x128xf32, #tpu.memory_space<vmem>>
    %dma_wait3A_30 = arith.constant 0 : i32
    %dma_wait3A_31 = tpu.memref_slice %arg4[%add3A_26, %dma_wait3A_30] : memref<16384x128xf32, #tpu.memory_space<hbm>> -> memref<32x128xf32, #tpu.memory_space<hbm>>
    %dma_wait3A_32 = arith.constant 0 : i32
    %dma_wait3A_33 = tpu.memref_slice %arg4[%add3A_26, %dma_wait3A_32] : memref<16384x128xf32, #tpu.memory_space<hbm>> -> memref<32x128xf32, #tpu.memory_space<hbm>>
    %dma_wait3A_34 = arith.constant 0 : i32
    %dma_wait3A_35 = arith.constant 0 : i32
    %dma_wait3A_36 = tpu.memref_slice %arg7[%dma_wait3A_34, %dma_wait3A_35] : memref<512x128xf32, #tpu.memory_space<vmem>> -> memref<32x128xf32, #tpu.memory_space<vmem>>
    tpu.wait_dma2 semaphore(%arg8 : memref<!tpu.dma_semaphore, #tpu.memory_space<semaphore_mem>>) src(%dma_wait3A_36 : memref<32x128xf32, #tpu.memory_space<vmem>>) dst(%dma_wait3A_33 : memref<32x128xf32, #tpu.memory_space<hbm>>)
    %add3A_37 = arith.constant 32 : i32
    %add3A_38 = arith.addi %mul3A_2, %add3A_37 : i32
    %dma_wait3A_39 = arith.constant 32 : i32
    %dma_wait3A_40 = arith.constant 0 : i32
    %dma_wait3A_41 = tpu.memref_slice %arg7[%dma_wait3A_39, %dma_wait3A_40] : memref<512x128xf32, #tpu.memory_space<vmem>> -> memref<32x128xf32, #tpu.memory_space<vmem>>
    %dma_wait3A_42 = arith.constant 0 : i32
    %dma_wait3A_43 = tpu.memref_slice %arg4[%add3A_38, %dma_wait3A_42] : memref<16384x128xf32, #tpu.memory_space<hbm>> -> memref<32x128xf32, #tpu.memory_space<hbm>>
    %dma_wait3A_44 = arith.constant 0 : i32
    %dma_wait3A_45 = tpu.memref_slice %arg4[%add3A_38, %dma_wait3A_44] : memref<16384x128xf32, #tpu.memory_space<hbm>> -> memref<32x128xf32, #tpu.memory_space<hbm>>
    %dma_wait3A_46 = arith.constant 32 : i32
    %dma_wait3A_47 = arith.constant 0 : i32
    %dma_wait3A_48 = tpu.memref_slice %arg7[%dma_wait3A_46, %dma_wait3A_47] : memref<512x128xf32, #tpu.memory_space<vmem>> -> memref<32x128xf32, #tpu.memory_space<vmem>>
    tpu.wait_dma2 semaphore(%arg8 : memref<!tpu.dma_semaphore, #tpu.memory_space<semaphore_mem>>) src(%dma_wait3A_48 : memref<32x128xf32, #tpu.memory_space<vmem>>) dst(%dma_wait3A_45 : memref<32x128xf32, #tpu.memory_space<hbm>>)
    %add3A_49 = arith.constant 64 : i32
    %add3A_50 = arith.addi %mul3A_2, %add3A_49 : i32
    %dma_wait3A_51 = arith.constant 64 : i32
    %dma_wait3A_52 = arith.constant 0 : i32
    %dma_wait3A_53 = tpu.memref_slice %arg7[%dma_wait3A_51, %dma_wait3A_52] : memref<512x128xf32, #tpu.memory_space<vmem>> -> memref<32x128xf32, #tpu.memory_space<vmem>>
    %dma_wait3A_54 = arith.constant 0 : i32
    %dma_wait3A_55 = tpu.memref_slice %arg4[%add3A_50, %dma_wait3A_54] : memref<16384x128xf32, #tpu.memory_space<hbm>> -> memref<32x128xf32, #tpu.memory_space<hbm>>
    %dma_wait3A_56 = arith.constant 0 : i32
    %dma_wait3A_57 = tpu.memref_slice %arg4[%add3A_50, %dma_wait3A_56] : memref<16384x128xf32, #tpu.memory_space<hbm>> -> memref<32x128xf32, #tpu.memory_space<hbm>>
    %dma_wait3A_58 = arith.constant 64 : i32
    %dma_wait3A_59 = arith.constant 0 : i32
    %dma_wait3A_60 = tpu.memref_slice %arg7[%dma_wait3A_58, %dma_wait3A_59] : memref<512x128xf32, #tpu.memory_space<vmem>> -> memref<32x128xf32, #tpu.memory_space<vmem>>
    tpu.wait_dma2 semaphore(%arg8 : memref<!tpu.dma_semaphore, #tpu.memory_space<semaphore_mem>>) src(%dma_wait3A_60 : memref<32x128xf32, #tpu.memory_space<vmem>>) dst(%dma_wait3A_57 : memref<32x128xf32, #tpu.memory_space<hbm>>)
    %add3A_61 = arith.constant 96 : i32
    %add3A_62 = arith.addi %mul3A_2, %add3A_61 : i32
    %dma_wait3A_63 = arith.constant 96 : i32
    %dma_wait3A_64 = arith.constant 0 : i32
    %dma_wait3A_65 = tpu.memref_slice %arg7[%dma_wait3A_63, %dma_wait3A_64] : memref<512x128xf32, #tpu.memory_space<vmem>> -> memref<32x128xf32, #tpu.memory_space<vmem>>
    %dma_wait3A_66 = arith.constant 0 : i32
    %dma_wait3A_67 = tpu.memref_slice %arg4[%add3A_62, %dma_wait3A_66] : memref<16384x128xf32, #tpu.memory_space<hbm>> -> memref<32x128xf32, #tpu.memory_space<hbm>>
    %dma_wait3A_68 = arith.constant 0 : i32
    %dma_wait3A_69 = tpu.memref_slice %arg4[%add3A_62, %dma_wait3A_68] : memref<16384x128xf32, #tpu.memory_space<hbm>> -> memref<32x128xf32, #tpu.memory_space<hbm>>
    %dma_wait3A_70 = arith.constant 96 : i32
    %dma_wait3A_71 = arith.constant 0 : i32
    %dma_wait3A_72 = tpu.memref_slice %arg7[%dma_wait3A_70, %dma_wait3A_71] : memref<512x128xf32, #tpu.memory_space<vmem>> -> memref<32x128xf32, #tpu.memory_space<vmem>>
    tpu.wait_dma2 semaphore(%arg8 : memref<!tpu.dma_semaphore, #tpu.memory_space<semaphore_mem>>) src(%dma_wait3A_72 : memref<32x128xf32, #tpu.memory_space<vmem>>) dst(%dma_wait3A_69 : memref<32x128xf32, #tpu.memory_space<hbm>>)
    %add3A_73 = arith.constant 128 : i32
    %add3A_74 = arith.addi %mul3A_2, %add3A_73 : i32
    %dma_wait3A_75 = arith.constant 128 : i32
    %dma_wait3A_76 = arith.constant 0 : i32
    %dma_wait3A_77 = tpu.memref_slice %arg7[%dma_wait3A_75, %dma_wait3A_76] : memref<512x128xf32, #tpu.memory_space<vmem>> -> memref<32x128xf32, #tpu.memory_space<vmem>>
    %dma_wait3A_78 = arith.constant 0 : i32
    %dma_wait3A_79 = tpu.memref_slice %arg4[%add3A_74, %dma_wait3A_78] : memref<16384x128xf32, #tpu.memory_space<hbm>> -> memref<32x128xf32, #tpu.memory_space<hbm>>
    %dma_wait3A_80 = arith.constant 0 : i32
    %dma_wait3A_81 = tpu.memref_slice %arg4[%add3A_74, %dma_wait3A_80] : memref<16384x128xf32, #tpu.memory_space<hbm>> -> memref<32x128xf32, #tpu.memory_space<hbm>>
    %dma_wait3A_82 = arith.constant 128 : i32
    %dma_wait3A_83 = arith.constant 0 : i32
    %dma_wait3A_84 = tpu.memref_slice %arg7[%dma_wait3A_82, %dma_wait3A_83] : memref<512x128xf32, #tpu.memory_space<vmem>> -> memref<32x128xf32, #tpu.memory_space<vmem>>
    tpu.wait_dma2 semaphore(%arg8 : memref<!tpu.dma_semaphore, #tpu.memory_space<semaphore_mem>>) src(%dma_wait3A_84 : memref<32x128xf32, #tpu.memory_space<vmem>>) dst(%dma_wait3A_81 : memref<32x128xf32, #tpu.memory_space<hbm>>)
    %add3A_85 = arith.constant 160 : i32
    %add3A_86 = arith.addi %mul3A_2, %add3A_85 : i32
    %dma_wait3A_87 = arith.constant 160 : i32
    %dma_wait3A_88 = arith.constant 0 : i32
    %dma_wait3A_89 = tpu.memref_slice %arg7[%dma_wait3A_87, %dma_wait3A_88] : memref<512x128xf32, #tpu.memory_space<vmem>> -> memref<32x128xf32, #tpu.memory_space<vmem>>
    %dma_wait3A_90 = arith.constant 0 : i32
    %dma_wait3A_91 = tpu.memref_slice %arg4[%add3A_86, %dma_wait3A_90] : memref<16384x128xf32, #tpu.memory_space<hbm>> -> memref<32x128xf32, #tpu.memory_space<hbm>>
    %dma_wait3A_92 = arith.constant 0 : i32
    %dma_wait3A_93 = tpu.memref_slice %arg4[%add3A_86, %dma_wait3A_92] : memref<16384x128xf32, #tpu.memory_space<hbm>> -> memref<32x128xf32, #tpu.memory_space<hbm>>
    %dma_wait3A_94 = arith.constant 160 : i32
    %dma_wait3A_95 = arith.constant 0 : i32
    %dma_wait3A_96 = tpu.memref_slice %arg7[%dma_wait3A_94, %dma_wait3A_95] : memref<512x128xf32, #tpu.memory_space<vmem>> -> memref<32x128xf32, #tpu.memory_space<vmem>>
    tpu.wait_dma2 semaphore(%arg8 : memref<!tpu.dma_semaphore, #tpu.memory_space<semaphore_mem>>) src(%dma_wait3A_96 : memref<32x128xf32, #tpu.memory_space<vmem>>) dst(%dma_wait3A_93 : memref<32x128xf32, #tpu.memory_space<hbm>>)
    %add3A_97 = arith.constant 192 : i32
    %add3A_98 = arith.addi %mul3A_2, %add3A_97 : i32
    %dma_wait3A_99 = arith.constant 192 : i32
    %dma_wait3A_100 = arith.constant 0 : i32
    %dma_wait3A_101 = tpu.memref_slice %arg7[%dma_wait3A_99, %dma_wait3A_100] : memref<512x128xf32, #tpu.memory_space<vmem>> -> memref<32x128xf32, #tpu.memory_space<vmem>>
    %dma_wait3A_102 = arith.constant 0 : i32
    %dma_wait3A_103 = tpu.memref_slice %arg4[%add3A_98, %dma_wait3A_102] : memref<16384x128xf32, #tpu.memory_space<hbm>> -> memref<32x128xf32, #tpu.memory_space<hbm>>
    %dma_wait3A_104 = arith.constant 0 : i32
    %dma_wait3A_105 = tpu.memref_slice %arg4[%add3A_98, %dma_wait3A_104] : memref<16384x128xf32, #tpu.memory_space<hbm>> -> memref<32x128xf32, #tpu.memory_space<hbm>>
    %dma_wait3A_106 = arith.constant 192 : i32
    %dma_wait3A_107 = arith.constant 0 : i32
    %dma_wait3A_108 = tpu.memref_slice %arg7[%dma_wait3A_106, %dma_wait3A_107] : memref<512x128xf32, #tpu.memory_space<vmem>> -> memref<32x128xf32, #tpu.memory_space<vmem>>
    tpu.wait_dma2 semaphore(%arg8 : memref<!tpu.dma_semaphore, #tpu.memory_space<semaphore_mem>>) src(%dma_wait3A_108 : memref<32x128xf32, #tpu.memory_space<vmem>>) dst(%dma_wait3A_105 : memref<32x128xf32, #tpu.memory_space<hbm>>)
    %add3A_109 = arith.constant 224 : i32
    %add3A_110 = arith.addi %mul3A_2, %add3A_109 : i32
    %dma_wait3A_111 = arith.constant 224 : i32
    %dma_wait3A_112 = arith.constant 0 : i32
    %dma_wait3A_113 = tpu.memref_slice %arg7[%dma_wait3A_111, %dma_wait3A_112] : memref<512x128xf32, #tpu.memory_space<vmem>> -> memref<32x128xf32, #tpu.memory_space<vmem>>
    %dma_wait3A_114 = arith.constant 0 : i32
    %dma_wait3A_115 = tpu.memref_slice %arg4[%add3A_110, %dma_wait3A_114] : memref<16384x128xf32, #tpu.memory_space<hbm>> -> memref<32x128xf32, #tpu.memory_space<hbm>>
    %dma_wait3A_116 = arith.constant 0 : i32
    %dma_wait3A_117 = tpu.memref_slice %arg4[%add3A_110, %dma_wait3A_116] : memref<16384x128xf32, #tpu.memory_space<hbm>> -> memref<32x128xf32, #tpu.memory_space<hbm>>
    %dma_wait3A_118 = arith.constant 224 : i32
    %dma_wait3A_119 = arith.constant 0 : i32
    %dma_wait3A_120 = tpu.memref_slice %arg7[%dma_wait3A_118, %dma_wait3A_119] : memref<512x128xf32, #tpu.memory_space<vmem>> -> memref<32x128xf32, #tpu.memory_space<vmem>>
    tpu.wait_dma2 semaphore(%arg8 : memref<!tpu.dma_semaphore, #tpu.memory_space<semaphore_mem>>) src(%dma_wait3A_120 : memref<32x128xf32, #tpu.memory_space<vmem>>) dst(%dma_wait3A_117 : memref<32x128xf32, #tpu.memory_space<hbm>>)
    %add3A_121 = arith.constant 256 : i32
    %add3A_122 = arith.addi %mul3A_2, %add3A_121 : i32
    %dma_wait3A_123 = arith.constant 256 : i32
    %dma_wait3A_124 = arith.constant 0 : i32
    %dma_wait3A_125 = tpu.memref_slice %arg7[%dma_wait3A_123, %dma_wait3A_124] : memref<512x128xf32, #tpu.memory_space<vmem>> -> memref<32x128xf32, #tpu.memory_space<vmem>>
    %dma_wait3A_126 = arith.constant 0 : i32
    %dma_wait3A_127 = tpu.memref_slice %arg4[%add3A_122, %dma_wait3A_126] : memref<16384x128xf32, #tpu.memory_space<hbm>> -> memref<32x128xf32, #tpu.memory_space<hbm>>
    %dma_wait3A_128 = arith.constant 0 : i32
    %dma_wait3A_129 = tpu.memref_slice %arg4[%add3A_122, %dma_wait3A_128] : memref<16384x128xf32, #tpu.memory_space<hbm>> -> memref<32x128xf32, #tpu.memory_space<hbm>>
    %dma_wait3A_130 = arith.constant 256 : i32
    %dma_wait3A_131 = arith.constant 0 : i32
    %dma_wait3A_132 = tpu.memref_slice %arg7[%dma_wait3A_130, %dma_wait3A_131] : memref<512x128xf32, #tpu.memory_space<vmem>> -> memref<32x128xf32, #tpu.memory_space<vmem>>
    tpu.wait_dma2 semaphore(%arg8 : memref<!tpu.dma_semaphore, #tpu.memory_space<semaphore_mem>>) src(%dma_wait3A_132 : memref<32x128xf32, #tpu.memory_space<vmem>>) dst(%dma_wait3A_129 : memref<32x128xf32, #tpu.memory_space<hbm>>)
    %add3A_133 = arith.constant 288 : i32
    %add3A_134 = arith.addi %mul3A_2, %add3A_133 : i32
    %dma_wait3A_135 = arith.constant 288 : i32
    %dma_wait3A_136 = arith.constant 0 : i32
    %dma_wait3A_137 = tpu.memref_slice %arg7[%dma_wait3A_135, %dma_wait3A_136] : memref<512x128xf32, #tpu.memory_space<vmem>> -> memref<32x128xf32, #tpu.memory_space<vmem>>
    %dma_wait3A_138 = arith.constant 0 : i32
    %dma_wait3A_139 = tpu.memref_slice %arg4[%add3A_134, %dma_wait3A_138] : memref<16384x128xf32, #tpu.memory_space<hbm>> -> memref<32x128xf32, #tpu.memory_space<hbm>>
    %dma_wait3A_140 = arith.constant 0 : i32
    %dma_wait3A_141 = tpu.memref_slice %arg4[%add3A_134, %dma_wait3A_140] : memref<16384x128xf32, #tpu.memory_space<hbm>> -> memref<32x128xf32, #tpu.memory_space<hbm>>
    %dma_wait3A_142 = arith.constant 288 : i32
    %dma_wait3A_143 = arith.constant 0 : i32
    %dma_wait3A_144 = tpu.memref_slice %arg7[%dma_wait3A_142, %dma_wait3A_143] : memref<512x128xf32, #tpu.memory_space<vmem>> -> memref<32x128xf32, #tpu.memory_space<vmem>>
    tpu.wait_dma2 semaphore(%arg8 : memref<!tpu.dma_semaphore, #tpu.memory_space<semaphore_mem>>) src(%dma_wait3A_144 : memref<32x128xf32, #tpu.memory_space<vmem>>) dst(%dma_wait3A_141 : memref<32x128xf32, #tpu.memory_space<hbm>>)
    %add3A_145 = arith.constant 320 : i32
    %add3A_146 = arith.addi %mul3A_2, %add3A_145 : i32
    %dma_wait3A_147 = arith.constant 320 : i32
    %dma_wait3A_148 = arith.constant 0 : i32
    %dma_wait3A_149 = tpu.memref_slice %arg7[%dma_wait3A_147, %dma_wait3A_148] : memref<512x128xf32, #tpu.memory_space<vmem>> -> memref<32x128xf32, #tpu.memory_space<vmem>>
    %dma_wait3A_150 = arith.constant 0 : i32
    %dma_wait3A_151 = tpu.memref_slice %arg4[%add3A_146, %dma_wait3A_150] : memref<16384x128xf32, #tpu.memory_space<hbm>> -> memref<32x128xf32, #tpu.memory_space<hbm>>
    %dma_wait3A_152 = arith.constant 0 : i32
    %dma_wait3A_153 = tpu.memref_slice %arg4[%add3A_146, %dma_wait3A_152] : memref<16384x128xf32, #tpu.memory_space<hbm>> -> memref<32x128xf32, #tpu.memory_space<hbm>>
    %dma_wait3A_154 = arith.constant 320 : i32
    %dma_wait3A_155 = arith.constant 0 : i32
    %dma_wait3A_156 = tpu.memref_slice %arg7[%dma_wait3A_154, %dma_wait3A_155] : memref<512x128xf32, #tpu.memory_space<vmem>> -> memref<32x128xf32, #tpu.memory_space<vmem>>
    tpu.wait_dma2 semaphore(%arg8 : memref<!tpu.dma_semaphore, #tpu.memory_space<semaphore_mem>>) src(%dma_wait3A_156 : memref<32x128xf32, #tpu.memory_space<vmem>>) dst(%dma_wait3A_153 : memref<32x128xf32, #tpu.memory_space<hbm>>)
    %add3A_157 = arith.constant 352 : i32
    %add3A_158 = arith.addi %mul3A_2, %add3A_157 : i32
    %dma_wait3A_159 = arith.constant 352 : i32
    %dma_wait3A_160 = arith.constant 0 : i32
    %dma_wait3A_161 = tpu.memref_slice %arg7[%dma_wait3A_159, %dma_wait3A_160] : memref<512x128xf32, #tpu.memory_space<vmem>> -> memref<32x128xf32, #tpu.memory_space<vmem>>
    %dma_wait3A_162 = arith.constant 0 : i32
    %dma_wait3A_163 = tpu.memref_slice %arg4[%add3A_158, %dma_wait3A_162] : memref<16384x128xf32, #tpu.memory_space<hbm>> -> memref<32x128xf32, #tpu.memory_space<hbm>>
    %dma_wait3A_164 = arith.constant 0 : i32
    %dma_wait3A_165 = tpu.memref_slice %arg4[%add3A_158, %dma_wait3A_164] : memref<16384x128xf32, #tpu.memory_space<hbm>> -> memref<32x128xf32, #tpu.memory_space<hbm>>
    %dma_wait3A_166 = arith.constant 352 : i32
    %dma_wait3A_167 = arith.constant 0 : i32
    %dma_wait3A_168 = tpu.memref_slice %arg7[%dma_wait3A_166, %dma_wait3A_167] : memref<512x128xf32, #tpu.memory_space<vmem>> -> memref<32x128xf32, #tpu.memory_space<vmem>>
    tpu.wait_dma2 semaphore(%arg8 : memref<!tpu.dma_semaphore, #tpu.memory_space<semaphore_mem>>) src(%dma_wait3A_168 : memref<32x128xf32, #tpu.memory_space<vmem>>) dst(%dma_wait3A_165 : memref<32x128xf32, #tpu.memory_space<hbm>>)
    %add3A_169 = arith.constant 384 : i32
    %add3A_170 = arith.addi %mul3A_2, %add3A_169 : i32
    %dma_wait3A_171 = arith.constant 384 : i32
    %dma_wait3A_172 = arith.constant 0 : i32
    %dma_wait3A_173 = tpu.memref_slice %arg7[%dma_wait3A_171, %dma_wait3A_172] : memref<512x128xf32, #tpu.memory_space<vmem>> -> memref<32x128xf32, #tpu.memory_space<vmem>>
    %dma_wait3A_174 = arith.constant 0 : i32
    %dma_wait3A_175 = tpu.memref_slice %arg4[%add3A_170, %dma_wait3A_174] : memref<16384x128xf32, #tpu.memory_space<hbm>> -> memref<32x128xf32, #tpu.memory_space<hbm>>
    %dma_wait3A_176 = arith.constant 0 : i32
    %dma_wait3A_177 = tpu.memref_slice %arg4[%add3A_170, %dma_wait3A_176] : memref<16384x128xf32, #tpu.memory_space<hbm>> -> memref<32x128xf32, #tpu.memory_space<hbm>>
    %dma_wait3A_178 = arith.constant 384 : i32
    %dma_wait3A_179 = arith.constant 0 : i32
    %dma_wait3A_180 = tpu.memref_slice %arg7[%dma_wait3A_178, %dma_wait3A_179] : memref<512x128xf32, #tpu.memory_space<vmem>> -> memref<32x128xf32, #tpu.memory_space<vmem>>
    tpu.wait_dma2 semaphore(%arg8 : memref<!tpu.dma_semaphore, #tpu.memory_space<semaphore_mem>>) src(%dma_wait3A_180 : memref<32x128xf32, #tpu.memory_space<vmem>>) dst(%dma_wait3A_177 : memref<32x128xf32, #tpu.memory_space<hbm>>)
    %add3A_181 = arith.constant 416 : i32
    %add3A_182 = arith.addi %mul3A_2, %add3A_181 : i32
    %dma_wait3A_183 = arith.constant 416 : i32
    %dma_wait3A_184 = arith.constant 0 : i32
    %dma_wait3A_185 = tpu.memref_slice %arg7[%dma_wait3A_183, %dma_wait3A_184] : memref<512x128xf32, #tpu.memory_space<vmem>> -> memref<32x128xf32, #tpu.memory_space<vmem>>
    %dma_wait3A_186 = arith.constant 0 : i32
    %dma_wait3A_187 = tpu.memref_slice %arg4[%add3A_182, %dma_wait3A_186] : memref<16384x128xf32, #tpu.memory_space<hbm>> -> memref<32x128xf32, #tpu.memory_space<hbm>>
    %dma_wait3A_188 = arith.constant 0 : i32
    %dma_wait3A_189 = tpu.memref_slice %arg4[%add3A_182, %dma_wait3A_188] : memref<16384x128xf32, #tpu.memory_space<hbm>> -> memref<32x128xf32, #tpu.memory_space<hbm>>
    %dma_wait3A_190 = arith.constant 416 : i32
    %dma_wait3A_191 = arith.constant 0 : i32
    %dma_wait3A_192 = tpu.memref_slice %arg7[%dma_wait3A_190, %dma_wait3A_191] : memref<512x128xf32, #tpu.memory_space<vmem>> -> memref<32x128xf32, #tpu.memory_space<vmem>>
    tpu.wait_dma2 semaphore(%arg8 : memref<!tpu.dma_semaphore, #tpu.memory_space<semaphore_mem>>) src(%dma_wait3A_192 : memref<32x128xf32, #tpu.memory_space<vmem>>) dst(%dma_wait3A_189 : memref<32x128xf32, #tpu.memory_space<hbm>>)
    %add3A_193 = arith.constant 448 : i32
    %add3A_194 = arith.addi %mul3A_2, %add3A_193 : i32
    %dma_wait3A_195 = arith.constant 448 : i32
    %dma_wait3A_196 = arith.constant 0 : i32
    %dma_wait3A_197 = tpu.memref_slice %arg7[%dma_wait3A_195, %dma_wait3A_196] : memref<512x128xf32, #tpu.memory_space<vmem>> -> memref<32x128xf32, #tpu.memory_space<vmem>>
    %dma_wait3A_198 = arith.constant 0 : i32
    %dma_wait3A_199 = tpu.memref_slice %arg4[%add3A_194, %dma_wait3A_198] : memref<16384x128xf32, #tpu.memory_space<hbm>> -> memref<32x128xf32, #tpu.memory_space<hbm>>
    %dma_wait3A_200 = arith.constant 0 : i32
    %dma_wait3A_201 = tpu.memref_slice %arg4[%add3A_194, %dma_wait3A_200] : memref<16384x128xf32, #tpu.memory_space<hbm>> -> memref<32x128xf32, #tpu.memory_space<hbm>>
    %dma_wait3A_202 = arith.constant 448 : i32
    %dma_wait3A_203 = arith.constant 0 : i32
    %dma_wait3A_204 = tpu.memref_slice %arg7[%dma_wait3A_202, %dma_wait3A_203] : memref<512x128xf32, #tpu.memory_space<vmem>> -> memref<32x128xf32, #tpu.memory_space<vmem>>
    tpu.wait_dma2 semaphore(%arg8 : memref<!tpu.dma_semaphore, #tpu.memory_space<semaphore_mem>>) src(%dma_wait3A_204 : memref<32x128xf32, #tpu.memory_space<vmem>>) dst(%dma_wait3A_201 : memref<32x128xf32, #tpu.memory_space<hbm>>)
    %add3A_205 = arith.constant 480 : i32
    %add3A_206 = arith.addi %mul3A_2, %add3A_205 : i32
    %dma_wait3A_207 = arith.constant 480 : i32
    %dma_wait3A_208 = arith.constant 0 : i32
    %dma_wait3A_209 = tpu.memref_slice %arg7[%dma_wait3A_207, %dma_wait3A_208] : memref<512x128xf32, #tpu.memory_space<vmem>> -> memref<32x128xf32, #tpu.memory_space<vmem>>
    %dma_wait3A_210 = arith.constant 0 : i32
    %dma_wait3A_211 = tpu.memref_slice %arg4[%add3A_206, %dma_wait3A_210] : memref<16384x128xf32, #tpu.memory_space<hbm>> -> memref<32x128xf32, #tpu.memory_space<hbm>>
    %dma_wait3A_212 = arith.constant 0 : i32
    %dma_wait3A_213 = tpu.memref_slice %arg4[%add3A_206, %dma_wait3A_212] : memref<16384x128xf32, #tpu.memory_space<hbm>> -> memref<32x128xf32, #tpu.memory_space<hbm>>
    %dma_wait3A_214 = arith.constant 480 : i32
    %dma_wait3A_215 = arith.constant 0 : i32
    %dma_wait3A_216 = tpu.memref_slice %arg7[%dma_wait3A_214, %dma_wait3A_215] : memref<512x128xf32, #tpu.memory_space<vmem>> -> memref<32x128xf32, #tpu.memory_space<vmem>>
    tpu.wait_dma2 semaphore(%arg8 : memref<!tpu.dma_semaphore, #tpu.memory_space<semaphore_mem>>) src(%dma_wait3A_216 : memref<32x128xf32, #tpu.memory_space<vmem>>) dst(%dma_wait3A_213 : memref<32x128xf32, #tpu.memory_space<hbm>>)
    return
  }
}

module attributes {stable_mosaic.version = 14 : i64} {
  func.func @_onehot_body(%arg0: memref<1x16384xi32, #tpu.memory_space<vmem>>, %arg1: memref<10x16384xf32, #tpu.memory_space<vmem>>) attributes {dimension_semantics = [], scalar_prefetch = 0 : i64, scratch_operands = 0 : i64, tpu.core_type = #tpu.core_type<tc>} {
    %get3A = arith.constant 0 : index
    %get3A_0 = arith.constant 0 : index
    %get3A_1 = vector.load %arg0[%get3A, %get3A_0] : memref<1x16384xi32, #tpu.memory_space<vmem>>, vector<1x16384xi32>
    %iota3A = tpu.iota {dimensions = array<i32: 0>} : vector<10x16384xi32>
    %eq3A = vector.broadcast %get3A_1 : vector<1x16384xi32> to vector<10x16384xi32>
    %eq3A_2 = arith.cmpi eq, %iota3A, %eq3A : vector<10x16384xi32>
    %jit3A = arith.constant 1.000000e+00 : f32
    %jit3A_3 = arith.constant 0.000000e+00 : f32
    %broadcast_in_dim3A = vector.broadcast %jit3A : f32 to vector<10x16384xf32>
    %broadcast_in_dim3A_4 = vector.broadcast %jit3A_3 : f32 to vector<10x16384xf32>
    %select_n3A = arith.select %eq3A_2, %broadcast_in_dim3A, %broadcast_in_dim3A_4 : vector<10x16384xi1>, vector<10x16384xf32>
    %swap3A = arith.constant 0 : index
    %swap3A_5 = arith.constant 0 : index
    %swap3A_6 = vector.load %arg1[%swap3A, %swap3A_5] : memref<10x16384xf32, #tpu.memory_space<vmem>>, vector<10x16384xf32>
    tpu.vector_store %arg1[%swap3A, %swap3A_5], %select_n3A {strides = array<i32>} : memref<10x16384xf32, #tpu.memory_space<vmem>>, vector<10x16384xf32>,
    return
  }
}

</mosaic_0001>

<sc_bundles>
// kernel: kernel.4.cloned.1.call-start
scs
__scs_entry_jumppad:
0x0: {  	(pc) =	sbr.rel $0x88, $3  }
0x1: {  	(tag) =	ssettag $0x0;
	lr =	simm.s32 $0x1  }
0x2: {  	[smem:$0x3F9F] =	sst lr;
	_ =	strace $0xD0000000  }
0x3: {  	_ = 	snop  }
0x4: {  	_ = 	snop  }
0x5: {  	_ = 	snop  }
0x6: {  	_ = 	snop  }
0x7: {  	_ = 	snop  }
__scs_overlays_trampoline_lowered:
0x8: {  	[smem:$0x3FAE] =	sst s0  }
0x9: {  	[smem:$0x3FAF] =	sst s1  }
0xa: {  	[smem:$0x3FB0] =	sst s2  }
0xb: {  	[smem:$0x3FB1] =	sst s3  }
0xc: {  	[smem:$0x3FB2] =	sst s4  }
0xd: {  	[smem:$0x3FB3] =	sst s5  }
0xe: {  	[smem:$0x3FB4] =	sst s6  }
0xf: {  	[smem:$0x3FB5] =	sst s7  }
0x10: {  	[smem:$0x3FB6] =	sst s8  }
0x11: {  	[smem:$0x3FB7] =	sst s9;
	s0 =	simm.s32 @!p0 $0x0  }
0x12: {  	s1 =	sld [smem:$0x3F9D];
	s0 =	simm.s32 @p0 $0x1  }
0x13: {  	[smem:$0x3FB8] =	sst s0;
	s0 =	simm.s32 @!p1 $0x0  }
0x14: {  	s2 =	sld [smem:$0x3F9C];
	s0 =	simm.s32 @p1 $0x1  }
0x15: {  	[smem:$0x3FB9] =	sst s0;
	s0 =	simm.s32 @!p2 $0x0  }
0x16: {  	s3 =	sld [smem:$0x3FDB];
	s0 =	simm.s32 @p2 $0x1  }
0x17: {  	s4 =	simm.s32 $0x1BF5;
	[smem:$0x3FBB] =	sst s0  }
0x18: {  	s0 =	sld [smem:$0x3F9E];
	_ =	swait.ge [sflag:s4], $0x0  }
0x19: {  	s7 =	sld [smem:$0x3F9F]  }
0x1a: {  	s8 =	sadd.s32 $0xFFFFE003, lr  }
0x1b: {  	s9 =	sadd.s32 $0xFFFFFEF7, lr;
	s5 =	simm.s32 $0xFFFFFFFF;
	p2 =	slt.u32 s8, $0xFFFFF086  }
0x1c: {  	p1 =	slt.u32 s9, $0xF7A;
	s5 =	simm.s32 @!p2 $0x0  }
0x1d: {  	s5 =	simm.s32 @p1 $0x1;
	p0 =	seq.s32 s7, s2  }
0x1e: {  	s7 =	smul.u32 @!p0 $0xF7A, s2;
	p2 =	seq.s32 @!p0 s5, $0x0  }
0x1f: {  	s9 =	smul.u32 $0xF7A, s1;
	s8 =	simm.s32 @!p0 $0x1BF5;
	p2 =	por !p2, p0  }
0x20: {  	[sflag:s8] =	ssyncset.s32 @!p0 $0xFFFFF086;
	s6 =	sadd.s32 @!p0 s3, s7;
	s7 =	simm.s32 @!p0 $0x108  }
0x21: {  	s3 =	sadd.s32 s3, s9;
	s6 =	sadd.s32 @!p0 $0x88, s6;
	s7 =	simm.s32 @p2 $0x1082  }
0x22: {  	[simem:s7], [sflag:s8] =	dma.local @!p0 [hbm:s6], $0xF7A  }
0x23: {  	s9 =	sor.u32 $0xD0000000, s2;
	s6 =	simm.s32 $0x108;
	_ =	swait.ge @!p0 [sflag:s8], $0x0  }
0x24: {  	s3 =	sadd.s32 $0x88, s3;
	s6 =	simm.s32 @!p1 $0x1082;
	[sflag:s4] =	ssyncset.s32 $0xFFFFF086  }
0x25: {  	[simem:s6], [sflag:s4] =	dma.local [hbm:s3], $0xF7A  }
0x26: {  	[smem:$0x3F9F] =	sst s1;
	(tag) =	ssettag s2;
	_ =	strace s9  }
0x27: {  	s1 =	sld [smem:$0x3FAF]  }
0x28: {  	s2 =	sld [smem:$0x3FB0]  }
0x29: {  	s4 =	sld [smem:$0x3FB2]  }
0x2a: {  	p0 =	seq.s32 s5, $0x0;
	s5 =	sld [smem:$0x3FB3]  }
0x2b: {  	s6 =	sld [smem:$0x3FB4]  }
0x2c: {  	s7 =	sld [smem:$0x3FB5]  }
0x2d: {  	s3 =	simm.s32 $0x108;
	s8 =	sld [smem:$0x3FB6]  }
0x2e: {  	s3 =	simm.s32 @!p0 $0x1082;
	s9 =	sld [smem:$0x3FB7]  }
0x2f: {  	lr =	sadd.s32 s0, s3;
	s0 =	sld [smem:$0x3FAE]  }
0x30: {  	s3 =	sld [smem:$0x3FB1]  }
0x31: {  	[smem:$0x3FBA] =	sst s10  }
0x32: {  	s10 =	sld [smem:$0x3FB8];
	_ =	sdelay $0x3  }
0x33: {  	p0 =	seq.s32 s10, $0x1;
	s10 =	sld [smem:$0x3FBA];
	_ =	sdelay $0x3  }
0x34: {  	[smem:$0x3FBA] =	sst s10  }
0x35: {  	s10 =	sld [smem:$0x3FB9];
	_ =	sdelay $0x3  }
0x36: {  	p1 =	seq.s32 s10, $0x1;
	s10 =	sld [smem:$0x3FBA];
	_ =	sdelay $0x3  }
0x37: {  	[smem:$0x3FBA] =	sst s10  }
0x38: {  	s10 =	sld [smem:$0x3FBB]  }
0x39: {  	_ = 	snop;
	(pc) =	sbr.ind lr, $3  }
0x3a: {  	_ = 	snop  }
0x3b: {  	_ = 	snop  }
0x3c: {  	p2 =	seq.s32 s10, $0x1;
	s10 =	sld [smem:$0x3FBA]  }
0x3d: {  	_ =	shalt  }
0x3e: {  	_ =	shalt  }
0x3f: {  	_ =	shalt  }
0x40: {  	_ =	shalt  }
0x41: {  	_ =	shalt  }
0x42: {  	_ =	shalt  }
0x43: {  	_ =	shalt  }
0x44: {  	_ =	shalt  }
0x45: {  	_ =	shalt  }
0x46: {  	_ =	shalt  }
0x47: {  	_ =	shalt  }
0x48: {  	_ =	shalt  }
0x49: {  	_ =	shalt  }
0x4a: {  	_ =	shalt  }
0x4b: {  	_ =	shalt  }
0x4c: {  	_ =	shalt  }
0x4d: {  	_ =	shalt  }
0x4e: {  	_ =	shalt  }
0x4f: {  	_ =	shalt  }
0x50: {  	_ =	shalt  }
0x51: {  	_ =	shalt  }
0x52: {  	_ =	shalt  }
0x53: {  	_ =	shalt  }
0x54: {  	_ =	shalt  }
0x55: {  	_ =	shalt  }
0x56: {  	_ =	shalt  }
0x57: {  	_ =	shalt  }
0x58: {  	_ =	shalt  }
0x59: {  	_ =	shalt  }
0x5a: {  	_ =	shalt  }
0x5b: {  	_ =	shalt  }
0x5c: {  	_ =	shalt  }
0x5d: {  	_ =	shalt  }
0x5e: {  	_ =	shalt  }
0x5f: {  	_ =	shalt  }
0x60: {  	_ =	shalt  }
0x61: {  	_ =	shalt  }
0x62: {  	_ =	shalt  }
0x63: {  	_ =	shalt  }
0x64: {  	_ =	shalt  }
0x65: {  	_ =	shalt  }
0x66: {  	_ =	shalt  }
0x67: {  	_ =	shalt  }
0x68: {  	_ =	shalt  }
0x69: {  	_ =	shalt  }
0x6a: {  	_ =	shalt  }
0x6b: {  	_ =	shalt  }
0x6c: {  	_ =	shalt  }
0x6d: {  	_ =	shalt  }
0x6e: {  	_ =	shalt  }
0x6f: {  	_ =	shalt  }
0x70: {  	_ =	shalt  }
0x71: {  	_ =	shalt  }
0x72: {  	_ =	shalt  }
0x73: {  	_ =	shalt  }
0x74: {  	_ =	shalt  }
0x75: {  	_ =	shalt  }
0x76: {  	_ =	shalt  }
0x77: {  	_ =	shalt  }
0x78: {  	_ =	shalt  }
0x79: {  	_ =	shalt  }
0x7a: {  	_ =	shalt  }
0x7b: {  	_ =	shalt  }
0x7c: {  	_ =	shalt  }
0x7d: {  	_ =	shalt  }
0x7e: {  	_ =	shalt  }
0x7f: {  	_ =	shalt  }
0x80: {  	_ =	shalt  }
0x81: {  	_ =	shalt  }
0x82: {  	_ =	shalt  }
0x83: {  	_ =	shalt  }
0x84: {  	_ =	shalt  }
0x85: {  	_ =	shalt  }
0x86: {  	_ =	shalt  }
0x87: {  	_ =	shalt  }
.Lfunc_end0:
.L_simem_size_0:
called_computation_lowered:
.L_overlay_start_0:
0x88: {  	s2 =	sld [smem:$0x3FD9]  }
0x89: {  	s3 =	sld [smem:$0x3FFE];
	_ =	sdelay $0x1  }
0x8a: {  	s1 =	srdreg.scid  }
0x8b: {  	s0 =	sand.u32 $0x1, s1  }
0x8c: {  	s14 =	sshll.u32 s0, $0xA;
	s2 =	sadd.s32 s3, s2  }
0x8d: {  	s2 =	sadd.s32 s2, s14  }
0x8e: {  	[smem:$0x3FC6] =	sst s2  }
0x8f: {  	_ = 	snop  }
0x90: {  	s2 =	sld [smem:$0x3FD0];
	_ =	sdelay $0x2  }
0x91: {  	s4 =	simm.s32 $0xA;
	s5 =	simm.s32 $0x10;
	s15 =	sld [smem:$0x3FC9]  }
0x92: {  	[smem:s5], [sflag:s4] =	dma.local [hbm:s2], $0x1  }
0x93: {  	_ =	swait.eq [sflag:s4], $0x1  }
0x94: {  	[sflag:s4] =	ssyncset.done $0x0  }
0x95: {  	[sflag:s4] =	ssyncadd.s32 $0xFFFFFFFF  }
0x96: {  	s16 =	sld [smem:$0x10];
	(tm) =	ssettm $0x1  }
0x97: {  	s17 =	sld [smem:$0x3FFB];
	_ =	sdelay $0x3  }
0x98: {  	_ =	strace s17  }
0x99: {  	s4 =	sld [smem:$0x3FFC];
	_ =	sdelay $0x3  }
0x9a: {  	_ =	strace s4  }
0x9b: {  	s4 =	sld [smem:$0x3FFD];
	_ =	sdelay $0x3  }
0x9c: {  	_ =	strace s4  }
0x9d: {  	_ =	strace $0x8FFFFFFF  }
0x9e: {  	s18 =	sld [smem:$0x3FDB];
	_ =	sdelay $0x1  }
0x9f: {  	s19 =	simm.s32 $_scs_section_size  }
0xa0: {  	s6 =	simm.s32 $_size__tile_overlayer_lowered;
	s7 =	simm.s32 $_tile_overlayer_lowered  }
0xa1: {  	s22 =	simm.s32 $0x1BFF;
	s21 =	sshll.u32 s7, $0x1;
	s4 =	sadd.s32 s19, s18  }
0xa2: {  	s8 =	simm.s32 $0x0;
	s20 =	sshll.u32 s6, $0x1;
	s6 =	sadd.s32 s21, s4  }
0xa3: {  	[timem:s8], [sflag:s22] =	dma.local [hbm:s6], s20  }
0xa4: {  	_ =	swait.ge [sflag:s22], s20  }
0xa5: {  	s5 =	ssub.s32 $0x0, s20;
	[sflag:s22] =	ssyncset.done $0x0  }
0xa6: {  	[sflag:s22] =	ssyncadd.s32 s5;
	_ =	sdelay $0x1  }
0xa7: {  	s23 =	simm.s32 $0x1B8B  }
0xa8: {  	_ =	swait.ge [sflag:s23], $0x1  }
0xa9: {  	[sflag:s23] =	ssyncset.done $0x0  }
0xaa: {  	s25 =	simm.s32 $0x1B8E;
	s24 =	sld [smem:$0x3FFE];
	[sflag:s23] =	ssyncadd.s32 $0xFFFFFFFF  }
0xab: {  	s26 =	simm.s32 $execute0_lowered;
	[smem:$0x3FD2] =	sst s25  }
0xac: {  	s6 =	sshll.u32 s26, $0x1;
	_ =	strace $0x80000046;
	[dreg:$0x1] =	wrdreg $0xFFFFFFFF  }
0xad: {  	s28 =	simm.s32 $_size_execute0_lowered;
	s4 =	sadd.s32 s4, s6;
	[dreg:$0x0] =	wrdreg $0x0  }
0xae: {  	s6 =	sshll.u32 s28, $0x1;
	[dreg:$0x2] =	wrdreg s4  }
0xaf: {  	[dreg:$0x3] =	wrdreg s6  }
0xb0: {  	[dreg:$0x4] =	wrdreg $0xC0  }
0xb1: {  	_ =	task [dreg:s8], $0x5FFFF  }
0xb2: {  	[dreg:$0x1] =	wrdreg $0xFFFFFFFF  }
0xb3: {  	[dreg:$0x0] =	wrdreg $0x60  }
0xb4: {  	[dreg:$0x2] =	wrdreg s15  }
0xb5: {  	[dreg:$0x3] =	wrdreg s24  }
0xb6: {  	[dreg:$0x4] =	wrdreg s16  }
0xb7: {  	[dreg:$0x5] =	wrdreg $0x9  }
0xb8: {  	_ =	task.clear_ibuf [dreg:s8], $0x6FFFF;
	_ =	strace $0x90000046  }
0xb9: {  	s29 =	simm.s32 $0x9;
	_ =	strace $0x80000048  }
0xba: {  	_ =	swait.ge [sflag:s29], $0x1  }
0xbb: {  	[sflag:s29] =	ssyncadd.s32 $0xFFFFFFFF  }
0xbc: {  	_ =	strace $0x90000048  }
0xbd: {  	_ =	sfence  }
0xbe: {  	s30 =	sld [smem:$0x0];
	_ =	sdelay $0x2  }
0xbf: {  	s31 =	sshll.u32 s1, $0xD;
	s1 =	sshrl.u32 s1, $0x2  }
0xc0: {  	s3 =	sand.u32 $0x4000, s31;
	s1 =	sadd.s32 s1, s30  }
0xc1: {  	s0 =	sor.u32 s3, s0;
	s1 =	sshll.u32 s1, $0x11  }
0xc2: {  	s0 =	sor.u32 s1, s0  }
0xc3: {  	s0 =	sadd.s32 $0x8F2B, s0  }
0xc4: {  	[sflag:s0] =	ssyncadd.remote.s32 $0x1  }
0xc5: {  	_ =	sfence.sel $0xFFFF  }
0xc6: {  	[dreg:$0x0] =	wrdreg $0xFFFFFFFF;
	(pc) =	sbr.abs _section_cstart, $3  }
0xc7: {  	[dreg:$0x1] =	wrdreg $0xFFFFFFFF  }
0xc8: {  	_ =	task.clear_ibuf [dreg:s8], $0x2FFFF;
	_ =	strace $0x9FFFFFFF  }
0xc9: {  	(tm) =	ssettm $0x7FFFFFFF  }
tec
execute0_lowered:
.L_overlay_start_1:
0x0: {  	(tag) =	ssettag $0x1  }
0x1: {  	s3 =	rddreg [dreg:$0x0]  }
0x2: {  	s1 =	srdreg.scid;
	s4 =	rddreg [dreg:$0x1]  }
0x3: {  	s0 =	stileid.u32;
	s6 =	rddreg [dreg:$0x2];
	s2 =	simm.s32 $0x0  }
0x4: {  	s5 =	sand.u32 $0x1, s1;
	s29 =	sshll.u32 s0, $0x1;
	s1 =	rddreg [dreg:$0x3]  }
0x5: {  	[smem:$0x7FF] =	sst s2;
	s7 =	sor.u32 s5, s29;
	s5 =	ssub.s32 $0x2, s5  }
0x6: {  	_ =	strace $0x80000047;
	s8 =	sand.u32 $0x3, s7;
	s30 =	sshrl.u32 s5, $0x1  }
0x7: {  	s9 =	sshll.u32 s7, $0x6;
	s31 =	sshll.u32 s7, $0xD;
	s8 =	smul.u32 $0xA0, s8  }
0x8: {  	s7 =	simm.s32 $0x200;
	s3 =	sadd.s32 s3, s9;
	s9 =	simm.s32 $0x0  }
0x9: {  	s4 =	sadd.s32 s8, s4;
	s8 =	ssub.s32 s5, s30;
	s5 =	sadd.s32 s6, s31  }
0xa: {  	s4 =	sadd.s32 $0x600, s4;
	s6 =	smax.u32 s8, $0x1;
	s8 =	simm.s32 $0x1  }
.LBB2_1:
0xb: {  	[tilespmem:s2], [sflag:$0x1] =	stream.linear.gather [hbm4b:s3+s2], $0x200, $0x38;
	[tilespmem:$0x10700] =	vst v63  }
0xc: {  	_ = 	snop  }
0xd: {  	[tilespmem:s7], [sflag:$0x1] =	stream.linear.gather [hbm4b:s4+s2], $0x500, $0x38;
	[tilespmem:$0x10700] =	vst v63  }
0xe: {  	_ =	swait.ge [sflag:s8], $0x200  }
0xf: {  	[sflag:s8] =	ssyncset.done $0x0  }
0x10: {  	[sflag:s8] =	ssyncadd.s32 $0xFFFFFE00  }
0x11: {  	_ =	swait.ge [sflag:s8], $0x500  }
0x12: {  	s10 =	simm.s32 $0xB00;
	[sflag:s8] =	ssyncset.done $0x0  }
0x13: {  	s11 =	simm.s32 $0x0;
	s12 =	simm.s32 $0x0;
	[sflag:s8] =	ssyncadd.s32 $0xFFFFFB00  }
.LBB2_2:
0x14: {  	v0 =	vld [tilespmem:s11+$0x0];
	_ =	sdelay $0x4  }
0x15: {  	v0 =	vshll.u32 v0, $0x9  }
0x16: {  	v0 =	vshra.s32 v0, $0x2  }
0x17: {  	(v2sf) =	vpush v0, $0x0;
	_ =	sdelay $0xd  }
0x18: {  	(v2sf) =	vpush v0, $0x1  }
0x19: {  	s13 =	spop (v2sf);
	(v2sf) =	vpush v0, $0x2;
	_ =	sdelay $0xd  }
0x1a: {  	s15 =	spop (v2sf)  }
0x1b: {  	s16 =	spop (v2sf);
	(v2sf) =	vpush v0, $0x3;
	_ =	sdelay $0xe  }
0x1c: {  	s17 =	spop (v2sf);
	(v2sf) =	vpush v0, $0x4;
	_ =	sdelay $0xe  }
0x1d: {  	s18 =	spop (v2sf);
	(v2sf) =	vpush v0, $0x5;
	_ =	sdelay $0xe  }
0x1e: {  	s19 =	spop (v2sf);
	(v2sf) =	vpush v0, $0x6;
	_ =	sdelay $0xe  }
0x1f: {  	s20 =	spop (v2sf);
	(v2sf) =	vpush v0, $0x7;
	_ =	sdelay $0xe  }
0x20: {  	s21 =	spop (v2sf);
	(v2sf) =	vpush v0, $0x8  }
0x21: {  	v1 =	vld [tilespmem:s13+$0x200]  }
0x22: {  	v2 =	vld [tilespmem:s13+$0x210]  }
0x23: {  	v3 =	vld [tilespmem:s13+$0x220]  }
0x24: {  	v4 =	vld [tilespmem:s13+$0x230]  }
0x25: {  	v5 =	vld [tilespmem:s13+$0x240]  }
0x26: {  	v6 =	vld [tilespmem:s13+$0x250]  }
0x27: {  	v7 =	vld [tilespmem:s13+$0x260]  }
0x28: {  	v8 =	vld [tilespmem:s13+$0x270]  }
0x29: {  	v9 =	vld [tilespmem:s15+$0x200];
	[tilespmem:s10+$0xFFFFFC00] =	vst v1  }
0x2a: {  	v1 =	vld [tilespmem:s15+$0x210];
	[tilespmem:s10+$0xFFFFFC10] =	vst v2  }
0x2b: {  	v2 =	vld [tilespmem:s15+$0x220];
	[tilespmem:s10+$0xFFFFFC20] =	vst v3  }
0x2c: {  	v3 =	vld [tilespmem:s15+$0x230];
	[tilespmem:s10+$0xFFFFFC30] =	vst v4  }
0x2d: {  	v4 =	vld [tilespmem:s15+$0x240];
	[tilespmem:s10+$0xFFFFFC40] =	vst v5  }
0x2e: {  	v5 =	vld [tilespmem:s15+$0x250];
	[tilespmem:s10+$0xFFFFFC50] =	vst v6  }
0x2f: {  	v6 =	vld [tilespmem:s15+$0x260];
	[tilespmem:s10+$0xFFFFFC60] =	vst v7;
	s22 =	spop (v2sf);
	(v2sf) =	vpush v0, $0x9  }
0x30: {  	v7 =	vld [tilespmem:s15+$0x270];
	[tilespmem:s10+$0xFFFFFC70] =	vst v8  }
0x31: {  	v8 =	vld [tilespmem:s16+$0x200];
	[tilespmem:s10+$0xFFFFFC80] =	vst v9  }
0x32: {  	v9 =	vld [tilespmem:s16+$0x210];
	[tilespmem:s10+$0xFFFFFC90] =	vst v1  }
0x33: {  	v1 =	vld [tilespmem:s16+$0x220];
	[tilespmem:s10+$0xFFFFFCA0] =	vst v2  }
0x34: {  	v2 =	vld [tilespmem:s16+$0x230];
	[tilespmem:s10+$0xFFFFFCB0] =	vst v3  }
0x35: {  	v3 =	vld [tilespmem:s16+$0x240];
	[tilespmem:s10+$0xFFFFFCC0] =	vst v4  }
0x36: {  	v4 =	vld [tilespmem:s16+$0x250];
	[tilespmem:s10+$0xFFFFFCD0] =	vst v5  }
0x37: {  	v5 =	vld [tilespmem:s16+$0x260];
	[tilespmem:s10+$0xFFFFFCE0] =	vst v6  }
0x38: {  	v6 =	vld [tilespmem:s16+$0x270];
	[tilespmem:s10+$0xFFFFFCF0] =	vst v7  }
0x39: {  	v7 =	vld [tilespmem:s17+$0x200];
	[tilespmem:s10+$0xFFFFFD00] =	vst v8  }
0x3a: {  	v8 =	vld [tilespmem:s17+$0x210];
	[tilespmem:s10+$0xFFFFFD10] =	vst v9  }
0x3b: {  	v9 =	vld [tilespmem:s17+$0x220];
	[tilespmem:s10+$0xFFFFFD20] =	vst v1  }
0x3c: {  	v1 =	vld [tilespmem:s17+$0x230];
	[tilespmem:s10+$0xFFFFFD30] =	vst v2  }
0x3d: {  	v2 =	vld [tilespmem:s17+$0x240];
	[tilespmem:s10+$0xFFFFFD40] =	vst v3  }
0x3e: {  	v3 =	vld [tilespmem:s17+$0x250];
	[tilespmem:s10+$0xFFFFFD50] =	vst v4;
	s23 =	spop (v2sf);
	(v2sf) =	vpush v0, $0xA  }
0x3f: {  	v4 =	vld [tilespmem:s17+$0x260];
	[tilespmem:s10+$0xFFFFFD60] =	vst v5  }
0x40: {  	v5 =	vld [tilespmem:s17+$0x270];
	[tilespmem:s10+$0xFFFFFD70] =	vst v6  }
0x41: {  	v6 =	vld [tilespmem:s18+$0x200];
	[tilespmem:s10+$0xFFFFFD80] =	vst v7  }
0x42: {  	v7 =	vld [tilespmem:s18+$0x210];
	[tilespmem:s10+$0xFFFFFD90] =	vst v8  }
0x43: {  	v8 =	vld [tilespmem:s18+$0x220];
	[tilespmem:s10+$0xFFFFFDA0] =	vst v9  }
0x44: {  	v9 =	vld [tilespmem:s18+$0x230];
	[tilespmem:s10+$0xFFFFFDB0] =	vst v1  }
0x45: {  	v1 =	vld [tilespmem:s18+$0x240];
	[tilespmem:s10+$0xFFFFFDC0] =	vst v2  }
0x46: {  	v2 =	vld [tilespmem:s18+$0x250];
	[tilespmem:s10+$0xFFFFFDD0] =	vst v3  }
0x47: {  	v3 =	vld [tilespmem:s18+$0x260];
	[tilespmem:s10+$0xFFFFFDE0] =	vst v4  }
0x48: {  	v4 =	vld [tilespmem:s18+$0x270];
	[tilespmem:s10+$0xFFFFFDF0] =	vst v5  }
0x49: {  	v5 =	vld [tilespmem:s19+$0x200];
	[tilespmem:s10+$0xFFFFFE00] =	vst v6  }
0x4a: {  	v6 =	vld [tilespmem:s19+$0x210];
	[tilespmem:s10+$0xFFFFFE10] =	vst v7  }
0x4b: {  	v7 =	vld [tilespmem:s19+$0x220];
	[tilespmem:s10+$0xFFFFFE20] =	vst v8  }
0x4c: {  	v8 =	vld [tilespmem:s19+$0x230];
	[tilespmem:s10+$0xFFFFFE30] =	vst v9  }
0x4d: {  	v9 =	vld [tilespmem:s19+$0x240];
	[tilespmem:s10+$0xFFFFFE40] =	vst v1;
	s24 =	spop (v2sf);
	(v2sf) =	vpush v0, $0xB  }
0x4e: {  	v1 =	vld [tilespmem:s19+$0x250];
	[tilespmem:s10+$0xFFFFFE50] =	vst v2  }
0x4f: {  	v2 =	vld [tilespmem:s19+$0x260];
	[tilespmem:s10+$0xFFFFFE60] =	vst v3  }
0x50: {  	v3 =	vld [tilespmem:s19+$0x270];
	[tilespmem:s10+$0xFFFFFE70] =	vst v4  }
0x51: {  	v4 =	vld [tilespmem:s20+$0x200];
	[tilespmem:s10+$0xFFFFFE80] =	vst v5  }
0x52: {  	v5 =	vld [tilespmem:s20+$0x210];
	[tilespmem:s10+$0xFFFFFE90] =	vst v6  }
0x53: {  	v6 =	vld [tilespmem:s20+$0x220];
	[tilespmem:s10+$0xFFFFFEA0] =	vst v7  }
0x54: {  	v7 =	vld [tilespmem:s20+$0x230];
	[tilespmem:s10+$0xFFFFFEB0] =	vst v8  }
0x55: {  	v8 =	vld [tilespmem:s20+$0x240];
	[tilespmem:s10+$0xFFFFFEC0] =	vst v9  }
0x56: {  	v9 =	vld [tilespmem:s20+$0x250];
	[tilespmem:s10+$0xFFFFFED0] =	vst v1  }
0x57: {  	v1 =	vld [tilespmem:s20+$0x260];
	[tilespmem:s10+$0xFFFFFEE0] =	vst v2  }
0x58: {  	v2 =	vld [tilespmem:s20+$0x270];
	[tilespmem:s10+$0xFFFFFEF0] =	vst v3  }
0x59: {  	v3 =	vld [tilespmem:s21+$0x200];
	[tilespmem:s10+$0xFFFFFF00] =	vst v4  }
0x5a: {  	v4 =	vld [tilespmem:s21+$0x210];
	[tilespmem:s10+$0xFFFFFF10] =	vst v5  }
0x5b: {  	v5 =	vld [tilespmem:s21+$0x220];
	[tilespmem:s10+$0xFFFFFF20] =	vst v6  }
0x5c: {  	v6 =	vld [tilespmem:s21+$0x230];
	[tilespmem:s10+$0xFFFFFF30] =	vst v7;
	s25 =	spop (v2sf);
	(v2sf) =	vpush v0, $0xC  }
0x5d: {  	v7 =	vld [tilespmem:s21+$0x240];
	[tilespmem:s10+$0xFFFFFF40] =	vst v8  }
0x5e: {  	v8 =	vld [tilespmem:s21+$0x250];
	[tilespmem:s10+$0xFFFFFF50] =	vst v9  }
0x5f: {  	v9 =	vld [tilespmem:s21+$0x260];
	[tilespmem:s10+$0xFFFFFF60] =	vst v1  }
0x60: {  	v1 =	vld [tilespmem:s21+$0x270];
	[tilespmem:s10+$0xFFFFFF70] =	vst v2  }
0x61: {  	v2 =	vld [tilespmem:s22+$0x200];
	[tilespmem:s10+$0xFFFFFF80] =	vst v3  }
0x62: {  	v3 =	vld [tilespmem:s22+$0x210];
	[tilespmem:s10+$0xFFFFFF90] =	vst v4  }
0x63: {  	v4 =	vld [tilespmem:s22+$0x220];
	[tilespmem:s10+$0xFFFFFFA0] =	vst v5  }
0x64: {  	v5 =	vld [tilespmem:s22+$0x230];
	[tilespmem:s10+$0xFFFFFFB0] =	vst v6  }
0x65: {  	v6 =	vld [tilespmem:s22+$0x240];
	[tilespmem:s10+$0xFFFFFFC0] =	vst v7  }
0x66: {  	v7 =	vld [tilespmem:s22+$0x250];
	[tilespmem:s10+$0xFFFFFFD0] =	vst v8  }
0x67: {  	v8 =	vld [tilespmem:s22+$0x260];
	[tilespmem:s10+$0xFFFFFFE0] =	vst v9  }
0x68: {  	v9 =	vld [tilespmem:s22+$0x270];
	[tilespmem:s10+$0xFFFFFFF0] =	vst v1  }
0x69: {  	v1 =	vld [tilespmem:s23+$0x200];
	[tilespmem:s10+$0x0] =	vst v2  }
0x6a: {  	v2 =	vld [tilespmem:s23+$0x210];
	[tilespmem:s10+$0x10] =	vst v3  }
0x6b: {  	v3 =	vld [tilespmem:s23+$0x220];
	[tilespmem:s10+$0x20] =	vst v4;
	s26 =	spop (v2sf);
	(v2sf) =	vpush v0, $0xD  }
0x6c: {  	v4 =	vld [tilespmem:s23+$0x230];
	[tilespmem:s10+$0x30] =	vst v5  }
0x6d: {  	v5 =	vld [tilespmem:s23+$0x240];
	[tilespmem:s10+$0x40] =	vst v6  }
0x6e: {  	v6 =	vld [tilespmem:s23+$0x250];
	[tilespmem:s10+$0x50] =	vst v7  }
0x6f: {  	v7 =	vld [tilespmem:s23+$0x260];
	[tilespmem:s10+$0x60] =	vst v8  }
0x70: {  	v8 =	vld [tilespmem:s23+$0x270];
	[tilespmem:s10+$0x70] =	vst v9  }
0x71: {  	v9 =	vld [tilespmem:s24+$0x200];
	[tilespmem:s10+$0x80] =	vst v1  }
0x72: {  	v1 =	vld [tilespmem:s24+$0x210];
	[tilespmem:s10+$0x90] =	vst v2  }
0x73: {  	v2 =	vld [tilespmem:s24+$0x220];
	[tilespmem:s10+$0xA0] =	vst v3  }
0x74: {  	v3 =	vld [tilespmem:s24+$0x230];
	[tilespmem:s10+$0xB0] =	vst v4  }
0x75: {  	v4 =	vld [tilespmem:s24+$0x240];
	[tilespmem:s10+$0xC0] =	vst v5  }
0x76: {  	v5 =	vld [tilespmem:s24+$0x250];
	[tilespmem:s10+$0xD0] =	vst v6  }
0x77: {  	v6 =	vld [tilespmem:s24+$0x260];
	[tilespmem:s10+$0xE0] =	vst v7  }
0x78: {  	v7 =	vld [tilespmem:s24+$0x270];
	[tilespmem:s10+$0xF0] =	vst v8  }
0x79: {  	v8 =	vld [tilespmem:s25+$0x200];
	[tilespmem:s10+$0x100] =	vst v9  }
0x7a: {  	v9 =	vld [tilespmem:s25+$0x210];
	[tilespmem:s10+$0x110] =	vst v1;
	s28 =	spop (v2sf);
	(v2sf) =	vpush v0, $0xE  }
0x7b: {  	v1 =	vld [tilespmem:s25+$0x220];
	[tilespmem:s10+$0x120] =	vst v2  }
0x7c: {  	v2 =	vld [tilespmem:s25+$0x230];
	[tilespmem:s10+$0x130] =	vst v3  }
0x7d: {  	v3 =	vld [tilespmem:s25+$0x240];
	[tilespmem:s10+$0x140] =	vst v4  }
0x7e: {  	v4 =	vld [tilespmem:s25+$0x250];
	[tilespmem:s10+$0x150] =	vst v5  }
0x7f: {  	v5 =	vld [tilespmem:s25+$0x260];
	[tilespmem:s10+$0x160] =	vst v6  }
0x80: {  	v6 =	vld [tilespmem:s25+$0x270];
	[tilespmem:s10+$0x170] =	vst v7  }
0x81: {  	v7 =	vld [tilespmem:s26+$0x200];
	[tilespmem:s10+$0x180] =	vst v8  }
0x82: {  	v8 =	vld [tilespmem:s26+$0x210];
	[tilespmem:s10+$0x190] =	vst v9  }
0x83: {  	v9 =	vld [tilespmem:s26+$0x220];
	[tilespmem:s10+$0x1A0] =	vst v1  }
0x84: {  	v1 =	vld [tilespmem:s26+$0x230];
	[tilespmem:s10+$0x1B0] =	vst v2  }
0x85: {  	v2 =	vld [tilespmem:s26+$0x240];
	[tilespmem:s10+$0x1C0] =	vst v3  }
0x86: {  	v3 =	vld [tilespmem:s26+$0x250];
	[tilespmem:s10+$0x1D0] =	vst v4  }
0x87: {  	v4 =	vld [tilespmem:s26+$0x260];
	[tilespmem:s10+$0x1E0] =	vst v5  }
0x88: {  	v5 =	vld [tilespmem:s26+$0x270];
	[tilespmem:s10+$0x1F0] =	vst v6  }
0x89: {  	v6 =	vld [tilespmem:s28+$0x200];
	[tilespmem:s10+$0x200] =	vst v7;
	s29 =	spop (v2sf);
	(v2sf) =	vpush v0, $0xF  }
0x8a: {  	v7 =	vld [tilespmem:s28+$0x210];
	[tilespmem:s10+$0x210] =	vst v8  }
0x8b: {  	v8 =	vld [tilespmem:s28+$0x220];
	[tilespmem:s10+$0x220] =	vst v9  }
0x8c: {  	v9 =	vld [tilespmem:s28+$0x230];
	[tilespmem:s10+$0x230] =	vst v1  }
0x8d: {  	v1 =	vld [tilespmem:s28+$0x240];
	[tilespmem:s10+$0x240] =	vst v2  }
0x8e: {  	v2 =	vld [tilespmem:s28+$0x250];
	[tilespmem:s10+$0x250] =	vst v3  }
0x8f: {  	v3 =	vld [tilespmem:s28+$0x260];
	[tilespmem:s10+$0x260] =	vst v4  }
0x90: {  	v4 =	vld [tilespmem:s28+$0x270];
	[tilespmem:s10+$0x270] =	vst v5  }
0x91: {  	v5 =	vld [tilespmem:s29+$0x200];
	[tilespmem:s10+$0x280] =	vst v6  }
0x92: {  	v63 =	vld [tilespmem:s29+$0x210];
	[tilespmem:s10+$0x290] =	vst v7  }
0x93: {  	v6 =	vld [tilespmem:s29+$0x220];
	[tilespmem:s10+$0x2A0] =	vst v8  }
0x94: {  	v7 =	vld [tilespmem:s29+$0x230];
	[tilespmem:s10+$0x2B0] =	vst v9  }
0x95: {  	v8 =	vld [tilespmem:s29+$0x240];
	[tilespmem:s10+$0x2C0] =	vst v1  }
0x96: {  	v1 =	vld [tilespmem:s29+$0x250];
	[tilespmem:s10+$0x2D0] =	vst v2  }
0x97: {  	v2 =	vld [tilespmem:s29+$0x260];
	[tilespmem:s10+$0x2E0] =	vst v3  }
0x98: {  	v3 =	vld [tilespmem:s29+$0x270];
	[tilespmem:s10+$0x2F0] =	vst v4;
	s30 =	spop (v2sf)  }
0x99: {  	v4 =	vld [tilespmem:s30+$0x200];
	[tilespmem:s10+$0x300] =	vst v5  }
0x9a: {  	v5 =	vld [tilespmem:s30+$0x210];
	[tilespmem:s10+$0x310] =	vst v63  }
0x9b: {  	v0 =	vld [tilespmem:s30+$0x220];
	[tilespmem:s10+$0x320] =	vst v6  }
0x9c: {  	v6 =	vld [tilespmem:s30+$0x230];
	[tilespmem:s10+$0x330] =	vst v7  }
0x9d: {  	v7 =	vld [tilespmem:s30+$0x240];
	[tilespmem:s10+$0x340] =	vst v8  }
0x9e: {  	v8 =	vld [tilespmem:s30+$0x250];
	[tilespmem:s10+$0x350] =	vst v1  }
0x9f: {  	v1 =	vld [tilespmem:s30+$0x260];
	[tilespmem:s10+$0x360] =	vst v2  }
0xa0: {  	v2 =	vld [tilespmem:s30+$0x270];
	[tilespmem:s10+$0x370] =	vst v3  }
0xa1: {  	[tilespmem:s10+$0x380] =	vst v4  }
0xa2: {  	[tilespmem:s10+$0x390] =	vst v5  }
0xa3: {  	s31 =	sand.u32 $0x1, s12;
	[tilespmem:s10+$0x3A0] =	vst v0  }
0xa4: {  	p0 =	seq.s32 s31, $0x0;
	[tilespmem:s10+$0x3B0] =	vst v6  }
0xa5: {  	s14 =	sshll.u32 @!p0 s12, $0x8;
	[tilespmem:s10+$0x3C0] =	vst v7  }
0xa6: {  	s14 =	sand.u32 @!p0 $0xFFFFFE00, s14;
	s13 =	sshll.u32 @!p0 s12, $0xB;
	[tilespmem:s10+$0x3D0] =	vst v8  }
0xa7: {  	s14 =	sadd.s32 @!p0 s14, s5;
	s13 =	sand.u32 @!p0 $0x3FFFF000, s13;
	[tilespmem:s10+$0x3E0] =	vst v1  }
0xa8: {  	s12 =	sadd.s32 $0x1, s12;
	s13 =	sor.u32 @!p0 $0x700, s13;
	s15 =	simm.s32 @!p0 $0x0;
	[tilespmem:s10+$0x3F0] =	vst v2  }
0xa9: {  	[hbm4b:s14+s15] =	stream.linear.scatter @!p0 [tilespmem:s13], [sflag:$0x1], $0x1000, $0x38;
	[tilespmem:$0x10700] =	vst v63  }
0xaa: {  	p0 =	sne.s32 s12, $0x20  }
.Ltmp0:
0xab: {  	_ = 	snop;
	(pc) =	sbr.rel @p0 .LBB2_2-.Ltmp0, $2  }
0xac: {  	_ =	sdelay $0x2  }
0xad: {  	s11 =	sadd.s32 $0x10, s11;
	s10 =	sadd.s32 $0x800, s10  }
0xae: {  	_ =	swait.ge [sflag:s8], $0x1000  }
0xaf: {  	[sflag:s8] =	ssyncset.done $0x0  }
0xb0: {  	[sflag:s8] =	ssyncadd.s32 $0xFFFFF000  }
0xb1: {  	_ =	swait.ge [sflag:s8], $0x1000  }
0xb2: {  	[sflag:s8] =	ssyncset.done $0x0  }
0xb3: {  	[sflag:s8] =	ssyncadd.s32 $0xFFFFF000  }
0xb4: {  	_ =	swait.ge [sflag:s8], $0x1000  }
0xb5: {  	[sflag:s8] =	ssyncset.done $0x0  }
0xb6: {  	[sflag:s8] =	ssyncadd.s32 $0xFFFFF000  }
0xb7: {  	_ =	swait.ge [sflag:s8], $0x1000  }
0xb8: {  	[sflag:s8] =	ssyncset.done $0x0  }
0xb9: {  	[sflag:s8] =	ssyncadd.s32 $0xFFFFF000  }
0xba: {  	_ =	swait.ge [sflag:s8], $0x1000  }
0xbb: {  	[sflag:s8] =	ssyncset.done $0x0  }
0xbc: {  	[sflag:s8] =	ssyncadd.s32 $0xFFFFF000  }
0xbd: {  	_ =	swait.ge [sflag:s8], $0x1000  }
0xbe: {  	[sflag:s8] =	ssyncset.done $0x0  }
0xbf: {  	[sflag:s8] =	ssyncadd.s32 $0xFFFFF000  }
0xc0: {  	_ =	swait.ge [sflag:s8], $0x1000  }
0xc1: {  	[sflag:s8] =	ssyncset.done $0x0  }
0xc2: {  	[sflag:s8] =	ssyncadd.s32 $0xFFFFF000  }
0xc3: {  	_ =	swait.ge [sflag:s8], $0x1000  }
0xc4: {  	[sflag:s8] =	ssyncset.done $0x0  }
0xc5: {  	[sflag:s8] =	ssyncadd.s32 $0xFFFFF000  }
0xc6: {  	_ =	swait.ge [sflag:s8], $0x1000  }
0xc7: {  	[sflag:s8] =	ssyncset.done $0x0  }
0xc8: {  	[sflag:s8] =	ssyncadd.s32 $0xFFFFF000  }
0xc9: {  	_ =	swait.ge [sflag:s8], $0x1000  }
0xca: {  	[sflag:s8] =	ssyncset.done $0x0  }
0xcb: {  	[sflag:s8] =	ssyncadd.s32 $0xFFFFF000  }
0xcc: {  	_ =	swait.ge [sflag:s8], $0x1000  }
0xcd: {  	[sflag:s8] =	ssyncset.done $0x0  }
0xce: {  	[sflag:s8] =	ssyncadd.s32 $0xFFFFF000  }
0xcf: {  	_ =	swait.ge [sflag:s8], $0x1000  }
0xd0: {  	[sflag:s8] =	ssyncset.done $0x0  }
0xd1: {  	[sflag:s8] =	ssyncadd.s32 $0xFFFFF000  }
0xd2: {  	_ =	swait.ge [sflag:s8], $0x1000  }
0xd3: {  	[sflag:s8] =	ssyncset.done $0x0  }
0xd4: {  	[sflag:s8] =	ssyncadd.s32 $0xFFFFF000  }
0xd5: {  	_ =	swait.ge [sflag:s8], $0x1000  }
0xd6: {  	[sflag:s8] =	ssyncset.done $0x0  }
0xd7: {  	s9 =	sadd.s32 $0x1, s9;
	[sflag:s8] =	ssyncadd.s32 $0xFFFFF000  }
0xd8: {  	p0 =	sne.s32 s9, s6;
	_ =	swait.ge [sflag:s8], $0x1000  }
.Ltmp1:
0xd9: {  	[sflag:s8] =	ssyncset.done $0x0;
	(pc) =	sbr.rel @p0 .LBB2_1-.Ltmp1, $4  }
0xda: {  	[sflag:s8] =	ssyncadd.s32 $0xFFFFF000  }
0xdb: {  	_ =	swait.ge [sflag:s8], $0x1000  }
0xdc: {  	[sflag:s8] =	ssyncset.done $0x0  }
0xdd: {  	[sflag:s8] =	ssyncadd.s32 $0xFFFFF000  }
0xde: {  	_ =	sfence.sel $0x180000  }
0xdf: {  	[bflag:$0x0] =	sbarrier.arrive $0xFFFF  }
0xe0: {  	p0 =	sne.s32 s0, $0x0;
	_ =	strace $0x90000047  }
0xe1: {  	s0 =	sadd.s32 @!p0 $0x100000, s1;
	[bflag:$0x2] =	sbarrier.arrive $0xFFFF  }
0xe2: {  	[sflag:s0] =	ssyncadd.tile.s32 @!p0 $0x1;
	_ =	shalt  }
.Lfunc_end2:
_tile_overlayer_lowered:
.L_overlay_start_2:
0xe3: {  	(tag) =	ssettag $0x2  }
0xe4: {  	s0 =	rddreg [dreg:$0x0];
	s2 =	stileid.u32  }
0xe5: {  	s1 =	rddreg [dreg:$0x1];
	p0 =	sne.s32 s2, $0x0  }
0xe6: {  	s3 =	rddreg [dreg:$0x2];
	[bflag:$0x3] =	sbarrier.arrive $0xFFFF;
	s2 =	simm.s32 @!p0 $0x1C02  }
0xe7: {  	[timem:s3], [sflag:s2] =	dma.local @!p0 [hbm:s0], s1  }
0xe8: {  	s0 =	simm.s32 @!p0 $0x2  }
0xe9: {  	_ =	swait.ge @!p0 [sflag:s0], s1  }
0xea: {  	s1 =	ssub.s32 @!p0 $0x0, s1;
	[sflag:s0] =	ssyncset.done @!p0 $0x0  }
0xeb: {  	[sflag:s0] =	ssyncadd.s32 @!p0 s1  }
0xec: {  	[bflag:$0x3] =	sbarrier.arrive $0xFFFF  }
0xed: {  	_ =	shalt  }

</sc_bundles>
